<compile_context>
chip_gen: v7x
topology: tpu7x:2x2x1
jax: 0.10.2.dev20260603
libtpu: 0.0.44.dev20260713+nightly
codegen_flags: <defaults>
</compile_context>

<pallas_src>
import functools

import jax
import jax.numpy as jnp
from jax import lax
from jax.experimental import pallas as pl
from jax.experimental.pallas import tpu as pltpu
from jax.experimental.pallas import tpu_sc as plsc

T = 2048
HIDDEN = 1024
FF = 512
E = 8
TOPK = 2
NPAIR = T * TOPK
BLK = 256
RPAD = NPAIR + E * BLK
NT = RPAD // BLK
NT1 = NT + 1
NW = 32
PW = NPAIR // NW
CW = 32
NC = PW // CW


def _router_body(x_ref, gate_ref, pos_ref, w_ref, te_ref):
    x = x_ref[...]
    gw = gate_ref[...]
    logits = lax.dot_general(
        x, gw, (((1,), (1,)), ((), ())), preferred_element_type=jnp.float32
    )
    lane = lax.broadcasted_iota(jnp.int32, (T, E), 1)
    m1 = jnp.max(logits, axis=1, keepdims=True)
    i1 = jnp.min(jnp.where(logits == m1, lane, E), axis=1, keepdims=True)
    oh1 = (lane == i1).astype(jnp.float32)
    logb = jnp.where(lane == i1, -jnp.inf, logits)
    m2 = jnp.max(logb, axis=1, keepdims=True)
    i2 = jnp.min(jnp.where(logb == m2, lane, E), axis=1, keepdims=True)
    oh2 = (lane == i2).astype(jnp.float32)
    e21 = jnp.exp(m2 - m1)
    w0 = 1.0 / (1.0 + e21)
    w1 = 1.0 - w0

    BS = 512
    r = lax.broadcasted_iota(jnp.int32, (BS, BS), 0)
    c = lax.broadcasted_iota(jnp.int32, (BS, BS), 1)
    ls = (c < r).astype(jnp.bfloat16)

    def excl_cumsum(oh):
        base = jnp.zeros((1, E), jnp.float32)
        parts = []
        for b in range(T // BS):
            sb = oh[b * BS:(b + 1) * BS]
            xb = lax.dot_general(
                ls, sb.astype(jnp.bfloat16), (((1,), (0,)), ((), ())),
                preferred_element_type=jnp.float32,
            ) + base
            parts.append(xb)
            base = base + jnp.sum(sb, axis=0, keepdims=True)
        return jnp.concatenate(parts, axis=0), base

    x1, c1 = excl_cumsum(oh1)
    x2, c2 = excl_cumsum(oh2)
    counts = c1 + c2
    padded = jnp.floor((counts + (BLK - 1)) * (1.0 / BLK)) * BLK
    acc = jnp.zeros((1, 1), jnp.float32)
    offs = []
    for e in range(E):
        offs.append(acc)
        acc = acc + padded[:, e:e + 1]
    pad_off = jnp.concatenate(offs, axis=1)
    total = acc

    rank1 = jnp.sum(x1 * oh1, axis=1, keepdims=True)
    rank2 = jnp.sum((c1 + x2) * oh2, axis=1, keepdims=True)
    off1 = jnp.sum(pad_off * oh1, axis=1, keepdims=True)
    off2 = jnp.sum(pad_off * oh2, axis=1, keepdims=True)
    pos1 = off1 + rank1
    pos2 = off2 + rank2
    pos_ref[...] = jnp.concatenate(
        [pos1, pos2], axis=0).astype(jnp.int32).reshape(NPAIR)
    w_ref[...] = jnp.concatenate([w0, w1], axis=0)

    jj = (lax.broadcasted_iota(jnp.int32, (NT1, E), 0) * BLK).astype(
        jnp.float32)
    te = jnp.sum((pad_off <= jj).astype(jnp.int32), axis=1, keepdims=True) - 1
    live = jj[:, 0:1] < total
    e8 = lax.broadcasted_iota(jnp.int32, (1, E), 1)
    last_e = jnp.max(jnp.where(padded > 0, e8, 0), axis=1, keepdims=True)
    n_live = (total * (1.0 / BLK)).astype(jnp.int32)
    tef = jnp.where(live, te, last_e)
    is_sent = lax.broadcasted_iota(jnp.int32, (NT1, 1), 0) == NT
    te_ref[...] = jnp.where(is_sent, n_live, tef).reshape(NT1)


def _ffn_body(s_ref, xs_ref, wg_ref, wu_ref, wd_ref, y_ref):
    j = pl.program_id(0)
    e = s_ref[j]

    @pl.when(j < s_ref[NT])
    def _():
        xb = xs_ref[...]
        g = lax.dot_general(
            xb, wg_ref[0], (((1,), (0,)), ((), ())),
            preferred_element_type=jnp.float32,
        )
        u = lax.dot_general(
            xb, wu_ref[0], (((1,), (0,)), ((), ())),
            preferred_element_type=jnp.float32,
        )
        h = g * lax.logistic(g) * u
        y_ref[...] = lax.dot_general(
            h, wd_ref[0], (((1,), (0,)), ((), ())),
            preferred_element_type=jnp.float32,
        )


def _cadd_body(ya_ref, yb_ref, wa_ref, wb_ref, o_ref):
    o_ref[...] = ya_ref[...] * wa_ref[...] + yb_ref[...] * wb_ref[...]


@functools.cache
def _vector_mesh():
    return plsc.VectorSubcoreMesh(
        core_axis_name="c", subcore_axis_name="s", num_cores=2, num_subcores=16
    )


def _sc_dispatch(x, ppos):
    @functools.partial(
        pl.kernel,
        mesh=_vector_mesh(),
        out_type=jax.ShapeDtypeStruct((RPAD, HIDDEN), jnp.float32),
        scratch_types=[
            pltpu.VMEM((CW,), jnp.int32),
            pltpu.VMEM((CW,), jnp.int32),
            pltpu.VMEM((CW,), jnp.int32),
            pltpu.VMEM((CW,), jnp.int32),
            pltpu.VMEM((CW, HIDDEN), jnp.float32),
            pltpu.VMEM((CW, HIDDEN), jnp.float32),
            pltpu.SemaphoreType.DMA,
            pltpu.SemaphoreType.DMA,
            pltpu.SemaphoreType.DMA,
            pltpu.SemaphoreType.DMA,
        ],
    )
    def k(x_hbm, pos_hbm, xs_hbm, p0, p1, p2, p3, r0, r1,
          gs0, gs1, ss0, ss1):
        wid = lax.axis_index("s") * 2 + lax.axis_index("c")
        pbase = wid * PW
        tbase = pbase % T
        pv = (p0, p1, p2, p3)
        for ci in range(NC):
            pltpu.sync_copy(pos_hbm.at[pl.ds(pbase + ci * CW, CW)], pv[ci])
        rb = (r0, r1)
        gs = (gs0, gs1)
        ss = (ss0, ss1)
        g = [None] * NC
        s = [None] * NC
        for ci in range(2):
            g[ci] = pltpu.async_copy(
                x_hbm.at[pl.ds(tbase + ci * CW, CW)], rb[ci], gs[ci])
        for ci in range(NC):
            b = ci % 2
            g[ci].wait()
            s[ci] = pltpu.async_copy(rb[b], xs_hbm.at[pv[ci]], ss[b])
            if ci + 2 < NC:
                s[ci].wait()
                g[ci + 2] = pltpu.async_copy(
                    x_hbm.at[pl.ds(tbase + (ci + 2) * CW, CW)], rb[b], gs[b])
        s[NC - 2].wait()
        s[NC - 1].wait()

    return k(x, ppos)


def _sc_combine(ppos, y):
    @functools.partial(
        pl.kernel,
        mesh=_vector_mesh(),
        out_type=jax.ShapeDtypeStruct((NPAIR, HIDDEN), jnp.float32),
        scratch_types=[
            pltpu.VMEM((CW,), jnp.int32),
            pltpu.VMEM((CW,), jnp.int32),
            pltpu.VMEM((CW,), jnp.int32),
            pltpu.VMEM((CW,), jnp.int32),
            pltpu.VMEM((CW, HIDDEN), jnp.float32),
            pltpu.VMEM((CW, HIDDEN), jnp.float32),
            pltpu.SemaphoreType.DMA,
            pltpu.SemaphoreType.DMA,
            pltpu.SemaphoreType.DMA,
            pltpu.SemaphoreType.DMA,
        ],
    )
    def k(pos_hbm, y_hbm, y2_hbm, p0, p1, p2, p3, r0, r1,
          gs0, gs1, ss0, ss1):
        wid = lax.axis_index("s") * 2 + lax.axis_index("c")
        pbase = wid * PW
        pv = (p0, p1, p2, p3)
        for ci in range(NC):
            pltpu.sync_copy(pos_hbm.at[pl.ds(pbase + ci * CW, CW)], pv[ci])
        rb = (r0, r1)
        gs = (gs0, gs1)
        ss = (ss0, ss1)
        g = [None] * NC
        s = [None] * NC
        for ci in range(2):
            g[ci] = pltpu.async_copy(y_hbm.at[pv[ci]], rb[ci], gs[ci])
        for ci in range(NC):
            b = ci % 2
            g[ci].wait()
            s[ci] = pltpu.async_copy(
                rb[b], y2_hbm.at[pl.ds(pbase + ci * CW, CW)], ss[b])
            if ci + 2 < NC:
                s[ci].wait()
                g[ci + 2] = pltpu.async_copy(y_hbm.at[pv[ci + 2]], rb[b],
                                             gs[b])
        s[NC - 2].wait()
        s[NC - 1].wait()

    return k(ppos, y)


def _router(x, gate_w):
    return pl.pallas_call(
        _router_body,
        out_shape=[
            jax.ShapeDtypeStruct((NPAIR,), jnp.int32),
            jax.ShapeDtypeStruct((NPAIR, 1), jnp.float32),
            jax.ShapeDtypeStruct((NT1,), jnp.int32),
        ],
    )(x, gate_w)


def _ffn(te, xs, wgb, wub, wdb):
    grid_spec = pltpu.PrefetchScalarGridSpec(
        num_scalar_prefetch=1,
        grid=(NT,),
        in_specs=[
            pl.BlockSpec((BLK, HIDDEN),
                         lambda j, s: (jnp.minimum(j, s[NT] - 1), 0)),
            pl.BlockSpec((1, HIDDEN, FF), lambda j, s: (s[j], 0, 0)),
            pl.BlockSpec((1, HIDDEN, FF), lambda j, s: (s[j], 0, 0)),
            pl.BlockSpec((1, FF, HIDDEN), lambda j, s: (s[j], 0, 0)),
        ],
        out_specs=pl.BlockSpec(
            (BLK, HIDDEN), lambda j, s: (jnp.minimum(j, s[NT] - 1), 0)),
    )
    return pl.pallas_call(
        _ffn_body,
        grid_spec=grid_spec,
        out_shape=jax.ShapeDtypeStruct((RPAD, HIDDEN), jnp.float32),
        compiler_params=pltpu.CompilerParams(
            dimension_semantics=("arbitrary",)
        ),
    )(te, xs, wgb, wub, wdb)


def _cadd(y2, wflat):
    cb = T // 4
    nh = T // cb
    return pl.pallas_call(
        _cadd_body,
        grid=(nh,),
        in_specs=[
            pl.BlockSpec((cb, HIDDEN), lambda j: (j, 0)),
            pl.BlockSpec((cb, HIDDEN), lambda j: (j + nh, 0)),
            pl.BlockSpec((cb, 1), lambda j: (j, 0)),
            pl.BlockSpec((cb, 1), lambda j: (j + nh, 0)),
        ],
        out_specs=pl.BlockSpec((cb, HIDDEN), lambda j: (j, 0)),
        out_shape=jax.ShapeDtypeStruct((T, HIDDEN), jnp.float32),
        compiler_params=pltpu.CompilerParams(
            dimension_semantics=("parallel",)
        ),
    )(y2, y2, wflat, wflat)


@jax.jit
def kernel(hidden_states, gate_w, w_gate, w_up, w_down):
    old_shape = hidden_states.shape
    x = hidden_states.reshape(-1, old_shape[-1])

    ppos, wpair, te = _router(x, gate_w)
    xs = _sc_dispatch(x, ppos)
    y = _ffn(te, xs, w_gate, w_up, w_down)
    y2 = _sc_combine(ppos, y)
    out = _cadd(y2, wpair)
    return out.reshape(old_shape)

# --- scband reference (transcript-rebuilt; emitter-appended) ---
"""Pipeline reference for scband-mo-elayer-90933047591233 (READ-ONLY COPY).

The authoritative reference and input builder live on the scoring server;
editing this copy changes nothing except your own understanding.
"""

import jax, jax.numpy as jnp
import numpy as np

B, S = 1, 2048
HIDDEN = 1024
FF = 512
E = 8
TOPK = 2

def setup_inputs(seed: int = 0) -> dict:
    key = jax.random.key(seed)
    k0, k1, k2, k3, k4 = jax.random.split(key, 5)
    hidden_states = jax.random.normal(k0, (B, S, HIDDEN), dtype=jnp.float32)
    gate_w = jax.random.normal(k1, (E, HIDDEN), dtype=jnp.float32) * 0.02
    w_gate = jax.random.normal(k2, (E, HIDDEN, FF), dtype=jnp.float32) * (1.0 / np.sqrt(HIDDEN))
    w_up = jax.random.normal(k3, (E, HIDDEN, FF), dtype=jnp.float32) * (1.0 / np.sqrt(HIDDEN))
    w_down = jax.random.normal(k4, (E, FF, HIDDEN), dtype=jnp.float32) * (1.0 / np.sqrt(FF))
    return {"hidden_states": hidden_states, "gate_w": gate_w, "w_gate": w_gate, "w_up": w_up, "w_down": w_down}

def reference(hidden_states, gate_w, w_gate, w_up, w_down):
    old_shape = hidden_states.shape
    x = hidden_states.reshape(-1, old_shape[-1])  # [T, H]
    # --- TopKRouter ---
    logits = x @ gate_w.T  # [T, E]
    probs = jax.nn.softmax(logits, axis=-1)
    top_vals, top_idx = jax.lax.top_k(probs, TOPK)  # [T, K]
    # renormalize_probabilities=True
    top_vals = top_vals / jnp.sum(top_vals, axis=-1, keepdims=True)
    # combine weights per expert: scatter top_k probs into dense [T, E]
    combine = jnp.sum(jax.nn.one_hot(top_idx, E, dtype=x.dtype) * top_vals[..., None], axis=1)  # [T, E]
    # tokens_per_expert stats (no grad; matches bincount buffer update)
    tokens_per_expert = jnp.bincount(top_idx.reshape(-1), length=E)
    # --- GroupedSwiGLU experts (dense dispatch formulation, mathematically identical) ---
    g = jnp.einsum('th,ehf->tef', x, w_gate)
    u = jnp.einsum('th,ehf->tef', x, w_up)
    h = jax.nn.silu(g) * u
    down = jnp.einsum('tef,efh->teh', h, w_down)
    out = jnp.einsum('te,teh->th', combine, down)
    del tokens_per_expert
    return out.reshape(old_shape)

if __name__ == "__main__":
    import jax
    _d = setup_inputs()
    print(jax.jit(kernel)(*tuple(_d.values())))

</pallas_src>

<mosaic_0001>
#map = affine_map<(d0, d1) -> (0, 0)>
#map1 = affine_map<(d0, d1) -> (0)>
module attributes {stable_mosaic.version = 14 : i64} {
  func.func @k(%arg0: i32, %arg1: i32, %arg2: memref<2048x1024xf32, #tpu.memory_space<hbm>>, %arg3: memref<4096xi32, #tpu.memory_space<hbm>>, %arg4: memref<6144x1024xf32, #tpu.memory_space<hbm>>, %arg5: memref<32xi32, #tpu.memory_space<vmem>>, %arg6: memref<32xi32, #tpu.memory_space<vmem>>, %arg7: memref<32xi32, #tpu.memory_space<vmem>>, %arg8: memref<32xi32, #tpu.memory_space<vmem>>, %arg9: memref<32x1024xf32, #tpu.memory_space<vmem>>, %arg10: memref<32x1024xf32, #tpu.memory_space<vmem>>, %arg11: memref<!tpu.dma_semaphore, #tpu.memory_space<semaphore_mem>>, %arg12: memref<!tpu.dma_semaphore, #tpu.memory_space<semaphore_mem>>, %arg13: memref<!tpu.dma_semaphore, #tpu.memory_space<semaphore_mem>>, %arg14: memref<!tpu.dma_semaphore, #tpu.memory_space<semaphore_mem>>) attributes {dimension_semantics = [#tpu.dimension_semantics<core_parallel>, #tpu.dimension_semantics<subcore_parallel>], iteration_bounds = array<i64: 2, 16>, scalar_prefetch = 0 : i64, scratch_operands = 10 : i64, tpu.core_type = #tpu.core_type<sc_vector_subcore>, window_params = [{transform_indices = #map}, {transform_indices = #map1}, {transform_indices = #map}]} {
    %mul3A = arith.constant 2 : i32
    %mul3A_0 = arith.muli %arg1, %mul3A : i32
    %add3A = arith.addi %mul3A_0, %arg0 : i32
    %mul3A_1 = arith.constant 128 : i32
    %mul3A_2 = arith.muli %add3A, %mul3A_1 : i32
    %jit3A = arith.constant 2048 : i32
    %eq3A = arith.constant 0 : i32
    %eq3A_3 = arith.cmpi eq, %jit3A, %eq3A : i32
    %jit3A_4 = arith.constant 1 : i32
    %select_n3A = arith.select %eq3A_3, %jit3A_4, %jit3A : i32
    %rem3A = arith.remsi %mul3A_2, %select_n3A : i32
    %ne3A = arith.constant 0 : i32
    %ne3A_5 = arith.cmpi ne, %rem3A, %ne3A : i32
    %lt3A = arith.constant 0 : i32
    %lt3A_6 = arith.cmpi slt, %rem3A, %lt3A : i32
    %lt3A_7 = arith.constant 0 : i32
    %lt3A_8 = arith.cmpi slt, %select_n3A, %lt3A_7 : i32
    %ne3A_9 = arith.xori %lt3A_6, %lt3A_8 : i1
    %and3A = arith.andi %ne3A_9, %ne3A_5 : i1
    %add3A_10 = arith.addi %rem3A, %select_n3A : i32
    %select_n3A_11 = arith.select %and3A, %add3A_10, %rem3A : i32
    %add3A_12 = arith.constant 0 : i32
    %add3A_13 = arith.addi %mul3A_2, %add3A_12 : i32
    "tpu.region"() ({
      %run_scoped3A = tpu.sem_alloc : memref<!tpu.dma_semaphore, #tpu.memory_space<semaphore_mem>>
      %dma_start3A_82 = tpu.memref_slice %arg3[%add3A_13] : memref<4096xi32, #tpu.memory_space<hbm>> -> memref<32xi32, #tpu.memory_space<hbm>>
      %dma_start3A_83 = tpu.memref_slice %arg3[%add3A_13] : memref<4096xi32, #tpu.memory_space<hbm>> -> memref<32xi32, #tpu.memory_space<hbm>>
      tpu.enqueue_dma source(%dma_start3A_83 : memref<32xi32, #tpu.memory_space<hbm>>) target(%arg5 : memref<32xi32, #tpu.memory_space<vmem>>) target_semaphore(%run_scoped3A : memref<!tpu.dma_semaphore, #tpu.memory_space<semaphore_mem>>)
      %dma_wait3A_84 = tpu.memref_slice %arg3[%add3A_13] : memref<4096xi32, #tpu.memory_space<hbm>> -> memref<32xi32, #tpu.memory_space<hbm>>
      %dma_wait3A_85 = tpu.memref_slice %arg3[%add3A_13] : memref<4096xi32, #tpu.memory_space<hbm>> -> memref<32xi32, #tpu.memory_space<hbm>>
      tpu.wait_dma2 semaphore(%run_scoped3A : memref<!tpu.dma_semaphore, #tpu.memory_space<semaphore_mem>>) src(%dma_wait3A_85 : memref<32xi32, #tpu.memory_space<hbm>>) dst(%arg5 : memref<32xi32, #tpu.memory_space<vmem>>)
      tpu.yield
    }) : () -> ()
    %add3A_14 = arith.constant 32 : i32
    %add3A_15 = arith.addi %mul3A_2, %add3A_14 : i32
    "tpu.region"() ({
      %run_scoped3A = tpu.sem_alloc : memref<!tpu.dma_semaphore, #tpu.memory_space<semaphore_mem>>
      %dma_start3A_82 = tpu.memref_slice %arg3[%add3A_15] : memref<4096xi32, #tpu.memory_space<hbm>> -> memref<32xi32, #tpu.memory_space<hbm>>
      %dma_start3A_83 = tpu.memref_slice %arg3[%add3A_15] : memref<4096xi32, #tpu.memory_space<hbm>> -> memref<32xi32, #tpu.memory_space<hbm>>
      tpu.enqueue_dma source(%dma_start3A_83 : memref<32xi32, #tpu.memory_space<hbm>>) target(%arg6 : memref<32xi32, #tpu.memory_space<vmem>>) target_semaphore(%run_scoped3A : memref<!tpu.dma_semaphore, #tpu.memory_space<semaphore_mem>>)
      %dma_wait3A_84 = tpu.memref_slice %arg3[%add3A_15] : memref<4096xi32, #tpu.memory_space<hbm>> -> memref<32xi32, #tpu.memory_space<hbm>>
      %dma_wait3A_85 = tpu.memref_slice %arg3[%add3A_15] : memref<4096xi32, #tpu.memory_space<hbm>> -> memref<32xi32, #tpu.memory_space<hbm>>
      tpu.wait_dma2 semaphore(%run_scoped3A : memref<!tpu.dma_semaphore, #tpu.memory_space<semaphore_mem>>) src(%dma_wait3A_85 : memref<32xi32, #tpu.memory_space<hbm>>) dst(%arg6 : memref<32xi32, #tpu.memory_space<vmem>>)
      tpu.yield
    }) : () -> ()
    %add3A_16 = arith.constant 64 : i32
    %add3A_17 = arith.addi %mul3A_2, %add3A_16 : i32
    "tpu.region"() ({
      %run_scoped3A = tpu.sem_alloc : memref<!tpu.dma_semaphore, #tpu.memory_space<semaphore_mem>>
      %dma_start3A_82 = tpu.memref_slice %arg3[%add3A_17] : memref<4096xi32, #tpu.memory_space<hbm>> -> memref<32xi32, #tpu.memory_space<hbm>>
      %dma_start3A_83 = tpu.memref_slice %arg3[%add3A_17] : memref<4096xi32, #tpu.memory_space<hbm>> -> memref<32xi32, #tpu.memory_space<hbm>>
      tpu.enqueue_dma source(%dma_start3A_83 : memref<32xi32, #tpu.memory_space<hbm>>) target(%arg7 : memref<32xi32, #tpu.memory_space<vmem>>) target_semaphore(%run_scoped3A : memref<!tpu.dma_semaphore, #tpu.memory_space<semaphore_mem>>)
      %dma_wait3A_84 = tpu.memref_slice %arg3[%add3A_17] : memref<4096xi32, #tpu.memory_space<hbm>> -> memref<32xi32, #tpu.memory_space<hbm>>
      %dma_wait3A_85 = tpu.memref_slice %arg3[%add3A_17] : memref<4096xi32, #tpu.memory_space<hbm>> -> memref<32xi32, #tpu.memory_space<hbm>>
      tpu.wait_dma2 semaphore(%run_scoped3A : memref<!tpu.dma_semaphore, #tpu.memory_space<semaphore_mem>>) src(%dma_wait3A_85 : memref<32xi32, #tpu.memory_space<hbm>>) dst(%arg7 : memref<32xi32, #tpu.memory_space<vmem>>)
      tpu.yield
    }) : () -> ()
    %add3A_18 = arith.constant 96 : i32
    %add3A_19 = arith.addi %mul3A_2, %add3A_18 : i32
    "tpu.region"() ({
      %run_scoped3A = tpu.sem_alloc : memref<!tpu.dma_semaphore, #tpu.memory_space<semaphore_mem>>
      %dma_start3A_82 = tpu.memref_slice %arg3[%add3A_19] : memref<4096xi32, #tpu.memory_space<hbm>> -> memref<32xi32, #tpu.memory_space<hbm>>
      %dma_start3A_83 = tpu.memref_slice %arg3[%add3A_19] : memref<4096xi32, #tpu.memory_space<hbm>> -> memref<32xi32, #tpu.memory_space<hbm>>
      tpu.enqueue_dma source(%dma_start3A_83 : memref<32xi32, #tpu.memory_space<hbm>>) target(%arg8 : memref<32xi32, #tpu.memory_space<vmem>>) target_semaphore(%run_scoped3A : memref<!tpu.dma_semaphore, #tpu.memory_space<semaphore_mem>>)
      %dma_wait3A_84 = tpu.memref_slice %arg3[%add3A_19] : memref<4096xi32, #tpu.memory_space<hbm>> -> memref<32xi32, #tpu.memory_space<hbm>>
      %dma_wait3A_85 = tpu.memref_slice %arg3[%add3A_19] : memref<4096xi32, #tpu.memory_space<hbm>> -> memref<32xi32, #tpu.memory_space<hbm>>
      tpu.wait_dma2 semaphore(%run_scoped3A : memref<!tpu.dma_semaphore, #tpu.memory_space<semaphore_mem>>) src(%dma_wait3A_85 : memref<32xi32, #tpu.memory_space<hbm>>) dst(%arg8 : memref<32xi32, #tpu.memory_space<vmem>>)
      tpu.yield
    }) : () -> ()
    %add3A_20 = arith.constant 0 : i32
    %add3A_21 = arith.addi %select_n3A_11, %add3A_20 : i32
    %dma_start3A = arith.constant 0 : i32
    %dma_start3A_22 = tpu.memref_slice %arg2[%add3A_21, %dma_start3A] : memref<2048x1024xf32, #tpu.memory_space<hbm>> -> memref<32x1024xf32, #tpu.memory_space<hbm>>
    %dma_start3A_23 = arith.constant 0 : i32
    %dma_start3A_24 = tpu.memref_slice %arg2[%add3A_21, %dma_start3A_23] : memref<2048x1024xf32, #tpu.memory_space<hbm>> -> memref<32x1024xf32, #tpu.memory_space<hbm>>
    tpu.enqueue_dma source(%dma_start3A_24 : memref<32x1024xf32, #tpu.memory_space<hbm>>) target(%arg9 : memref<32x1024xf32, #tpu.memory_space<vmem>>) target_semaphore(%arg11 : memref<!tpu.dma_semaphore, #tpu.memory_space<semaphore_mem>>)
    %add3A_25 = arith.constant 32 : i32
    %add3A_26 = arith.addi %select_n3A_11, %add3A_25 : i32
    %dma_start3A_27 = arith.constant 0 : i32
    %dma_start3A_28 = tpu.memref_slice %arg2[%add3A_26, %dma_start3A_27] : memref<2048x1024xf32, #tpu.memory_space<hbm>> -> memref<32x1024xf32, #tpu.memory_space<hbm>>
    %dma_start3A_29 = arith.constant 0 : i32
    %dma_start3A_30 = tpu.memref_slice %arg2[%add3A_26, %dma_start3A_29] : memref<2048x1024xf32, #tpu.memory_space<hbm>> -> memref<32x1024xf32, #tpu.memory_space<hbm>>
    tpu.enqueue_dma source(%dma_start3A_30 : memref<32x1024xf32, #tpu.memory_space<hbm>>) target(%arg10 : memref<32x1024xf32, #tpu.memory_space<vmem>>) target_semaphore(%arg12 : memref<!tpu.dma_semaphore, #tpu.memory_space<semaphore_mem>>)
    %dma_wait3A = arith.constant 0 : i32
    %dma_wait3A_31 = tpu.memref_slice %arg2[%add3A_21, %dma_wait3A] : memref<2048x1024xf32, #tpu.memory_space<hbm>> -> memref<32x1024xf32, #tpu.memory_space<hbm>>
    %dma_wait3A_32 = arith.constant 0 : i32
    %dma_wait3A_33 = tpu.memref_slice %arg2[%add3A_21, %dma_wait3A_32] : memref<2048x1024xf32, #tpu.memory_space<hbm>> -> memref<32x1024xf32, #tpu.memory_space<hbm>>
    tpu.wait_dma2 semaphore(%arg11 : memref<!tpu.dma_semaphore, #tpu.memory_space<semaphore_mem>>) src(%dma_wait3A_33 : memref<32x1024xf32, #tpu.memory_space<hbm>>) dst(%arg9 : memref<32x1024xf32, #tpu.memory_space<vmem>>)
    %dma_start3A_34 = arith.constant 0 : i32
    %dma_start3A_35 = arith.constant 0 : i32
    %dma_start3A_36 = tpu.memref_slice %arg4[%dma_start3A_34, %dma_start3A_35] : memref<6144x1024xf32, #tpu.memory_space<hbm>> -> memref<6144x1024xf32, #tpu.memory_space<hbm>>
    tpu.enqueue_indirect_dma source(%arg9 : memref<32x1024xf32, #tpu.memory_space<vmem>>) target(%dma_start3A_36 : memref<6144x1024xf32, #tpu.memory_space<hbm>>) offsets(%arg5 : memref<32xi32, #tpu.memory_space<vmem>>) semaphore(%arg13 : memref<!tpu.dma_semaphore, #tpu.memory_space<semaphore_mem>>)
    %dma_wait3A_37 = arith.constant 0 : i32
    %dma_wait3A_38 = arith.constant 0 : i32
    %dma_wait3A_39 = tpu.memref_slice %arg4[%dma_wait3A_37, %dma_wait3A_38] : memref<6144x1024xf32, #tpu.memory_space<hbm>> -> memref<6144x1024xf32, #tpu.memory_space<hbm>>
    tpu.wait_indirect_dma semaphore(%arg13 : memref<!tpu.dma_semaphore, #tpu.memory_space<semaphore_mem>>) src(%arg9 : memref<32x1024xf32, #tpu.memory_space<vmem>>) dst(%dma_wait3A_39 : memref<6144x1024xf32, #tpu.memory_space<hbm>>)
    %add3A_40 = arith.constant 64 : i32
    %add3A_41 = arith.addi %select_n3A_11, %add3A_40 : i32
    %dma_start3A_42 = arith.constant 0 : i32
    %dma_start3A_43 = tpu.memref_slice %arg2[%add3A_41, %dma_start3A_42] : memref<2048x1024xf32, #tpu.memory_space<hbm>> -> memref<32x1024xf32, #tpu.memory_space<hbm>>
    %dma_start3A_44 = arith.constant 0 : i32
    %dma_start3A_45 = tpu.memref_slice %arg2[%add3A_41, %dma_start3A_44] : memref<2048x1024xf32, #tpu.memory_space<hbm>> -> memref<32x1024xf32, #tpu.memory_space<hbm>>
    tpu.enqueue_dma source(%dma_start3A_45 : memref<32x1024xf32, #tpu.memory_space<hbm>>) target(%arg9 : memref<32x1024xf32, #tpu.memory_space<vmem>>) target_semaphore(%arg11 : memref<!tpu.dma_semaphore, #tpu.memory_space<semaphore_mem>>)
    %dma_wait3A_46 = arith.constant 0 : i32
    %dma_wait3A_47 = tpu.memref_slice %arg2[%add3A_26, %dma_wait3A_46] : memref<2048x1024xf32, #tpu.memory_space<hbm>> -> memref<32x1024xf32, #tpu.memory_space<hbm>>
    %dma_wait3A_48 = arith.constant 0 : i32
    %dma_wait3A_49 = tpu.memref_slice %arg2[%add3A_26, %dma_wait3A_48] : memref<2048x1024xf32, #tpu.memory_space<hbm>> -> memref<32x1024xf32, #tpu.memory_space<hbm>>
    tpu.wait_dma2 semaphore(%arg12 : memref<!tpu.dma_semaphore, #tpu.memory_space<semaphore_mem>>) src(%dma_wait3A_49 : memref<32x1024xf32, #tpu.memory_space<hbm>>) dst(%arg10 : memref<32x1024xf32, #tpu.memory_space<vmem>>)
    %dma_start3A_50 = arith.constant 0 : i32
    %dma_start3A_51 = arith.constant 0 : i32
    %dma_start3A_52 = tpu.memref_slice %arg4[%dma_start3A_50, %dma_start3A_51] : memref<6144x1024xf32, #tpu.memory_space<hbm>> -> memref<6144x1024xf32, #tpu.memory_space<hbm>>
    tpu.enqueue_indirect_dma source(%arg10 : memref<32x1024xf32, #tpu.memory_space<vmem>>) target(%dma_start3A_52 : memref<6144x1024xf32, #tpu.memory_space<hbm>>) offsets(%arg6 : memref<32xi32, #tpu.memory_space<vmem>>) semaphore(%arg14 : memref<!tpu.dma_semaphore, #tpu.memory_space<semaphore_mem>>)
    %dma_wait3A_53 = arith.constant 0 : i32
    %dma_wait3A_54 = arith.constant 0 : i32
    %dma_wait3A_55 = tpu.memref_slice %arg4[%dma_wait3A_53, %dma_wait3A_54] : memref<6144x1024xf32, #tpu.memory_space<hbm>> -> memref<6144x1024xf32, #tpu.memory_space<hbm>>
    tpu.wait_indirect_dma semaphore(%arg14 : memref<!tpu.dma_semaphore, #tpu.memory_space<semaphore_mem>>) src(%arg10 : memref<32x1024xf32, #tpu.memory_space<vmem>>) dst(%dma_wait3A_55 : memref<6144x1024xf32, #tpu.memory_space<hbm>>)
    %add3A_56 = arith.constant 96 : i32
    %add3A_57 = arith.addi %select_n3A_11, %add3A_56 : i32
    %dma_start3A_58 = arith.constant 0 : i32
    %dma_start3A_59 = tpu.memref_slice %arg2[%add3A_57, %dma_start3A_58] : memref<2048x1024xf32, #tpu.memory_space<hbm>> -> memref<32x1024xf32, #tpu.memory_space<hbm>>
    %dma_start3A_60 = arith.constant 0 : i32
    %dma_start3A_61 = tpu.memref_slice %arg2[%add3A_57, %dma_start3A_60] : memref<2048x1024xf32, #tpu.memory_space<hbm>> -> memref<32x1024xf32, #tpu.memory_space<hbm>>
    tpu.enqueue_dma source(%dma_start3A_61 : memref<32x1024xf32, #tpu.memory_space<hbm>>) target(%arg10 : memref<32x1024xf32, #tpu.memory_space<vmem>>) target_semaphore(%arg12 : memref<!tpu.dma_semaphore, #tpu.memory_space<semaphore_mem>>)
    %dma_wait3A_62 = arith.constant 0 : i32
    %dma_wait3A_63 = tpu.memref_slice %arg2[%add3A_41, %dma_wait3A_62] : memref<2048x1024xf32, #tpu.memory_space<hbm>> -> memref<32x1024xf32, #tpu.memory_space<hbm>>
    %dma_wait3A_64 = arith.constant 0 : i32
    %dma_wait3A_65 = tpu.memref_slice %arg2[%add3A_41, %dma_wait3A_64] : memref<2048x1024xf32, #tpu.memory_space<hbm>> -> memref<32x1024xf32, #tpu.memory_space<hbm>>
    tpu.wait_dma2 semaphore(%arg11 : memref<!tpu.dma_semaphore, #tpu.memory_space<semaphore_mem>>) src(%dma_wait3A_65 : memref<32x1024xf32, #tpu.memory_space<hbm>>) dst(%arg9 : memref<32x1024xf32, #tpu.memory_space<vmem>>)
    %dma_start3A_66 = arith.constant 0 : i32
    %dma_start3A_67 = arith.constant 0 : i32
    %dma_start3A_68 = tpu.memref_slice %arg4[%dma_start3A_66, %dma_start3A_67] : memref<6144x1024xf32, #tpu.memory_space<hbm>> -> memref<6144x1024xf32, #tpu.memory_space<hbm>>
    tpu.enqueue_indirect_dma source(%arg9 : memref<32x1024xf32, #tpu.memory_space<vmem>>) target(%dma_start3A_68 : memref<6144x1024xf32, #tpu.memory_space<hbm>>) offsets(%arg7 : memref<32xi32, #tpu.memory_space<vmem>>) semaphore(%arg13 : memref<!tpu.dma_semaphore, #tpu.memory_space<semaphore_mem>>)
    %dma_wait3A_69 = arith.constant 0 : i32
    %dma_wait3A_70 = tpu.memref_slice %arg2[%add3A_57, %dma_wait3A_69] : memref<2048x1024xf32, #tpu.memory_space<hbm>> -> memref<32x1024xf32, #tpu.memory_space<hbm>>
    %dma_wait3A_71 = arith.constant 0 : i32
    %dma_wait3A_72 = tpu.memref_slice %arg2[%add3A_57, %dma_wait3A_71] : memref<2048x1024xf32, #tpu.memory_space<hbm>> -> memref<32x1024xf32, #tpu.memory_space<hbm>>
    tpu.wait_dma2 semaphore(%arg12 : memref<!tpu.dma_semaphore, #tpu.memory_space<semaphore_mem>>) src(%dma_wait3A_72 : memref<32x1024xf32, #tpu.memory_space<hbm>>) dst(%arg10 : memref<32x1024xf32, #tpu.memory_space<vmem>>)
    %dma_start3A_73 = arith.constant 0 : i32
    %dma_start3A_74 = arith.constant 0 : i32
    %dma_start3A_75 = tpu.memref_slice %arg4[%dma_start3A_73, %dma_start3A_74] : memref<6144x1024xf32, #tpu.memory_space<hbm>> -> memref<6144x1024xf32, #tpu.memory_space<hbm>>
    tpu.enqueue_indirect_dma source(%arg10 : memref<32x1024xf32, #tpu.memory_space<vmem>>) target(%dma_start3A_75 : memref<6144x1024xf32, #tpu.memory_space<hbm>>) offsets(%arg8 : memref<32xi32, #tpu.memory_space<vmem>>) semaphore(%arg14 : memref<!tpu.dma_semaphore, #tpu.memory_space<semaphore_mem>>)
    %dma_wait3A_76 = arith.constant 0 : i32
    %dma_wait3A_77 = arith.constant 0 : i32
    %dma_wait3A_78 = tpu.memref_slice %arg4[%dma_wait3A_76, %dma_wait3A_77] : memref<6144x1024xf32, #tpu.memory_space<hbm>> -> memref<6144x1024xf32, #tpu.memory_space<hbm>>
    tpu.wait_indirect_dma semaphore(%arg13 : memref<!tpu.dma_semaphore, #tpu.memory_space<semaphore_mem>>) src(%arg9 : memref<32x1024xf32, #tpu.memory_space<vmem>>) dst(%dma_wait3A_78 : memref<6144x1024xf32, #tpu.memory_space<hbm>>)
    %dma_wait3A_79 = arith.constant 0 : i32
    %dma_wait3A_80 = arith.constant 0 : i32
    %dma_wait3A_81 = tpu.memref_slice %arg4[%dma_wait3A_79, %dma_wait3A_80] : memref<6144x1024xf32, #tpu.memory_space<hbm>> -> memref<6144x1024xf32, #tpu.memory_space<hbm>>
    tpu.wait_indirect_dma semaphore(%arg14 : memref<!tpu.dma_semaphore, #tpu.memory_space<semaphore_mem>>) src(%arg10 : memref<32x1024xf32, #tpu.memory_space<vmem>>) dst(%dma_wait3A_81 : memref<6144x1024xf32, #tpu.memory_space<hbm>>)
    return
  }
}

#map = affine_map<(d0, d1) -> (0)>
#map1 = affine_map<(d0, d1) -> (0, 0)>
module attributes {stable_mosaic.version = 14 : i64} {
  func.func @k(%arg0: i32, %arg1: i32, %arg2: memref<4096xi32, #tpu.memory_space<hbm>>, %arg3: memref<6144x1024xf32, #tpu.memory_space<hbm>>, %arg4: memref<4096x1024xf32, #tpu.memory_space<hbm>>, %arg5: memref<32xi32, #tpu.memory_space<vmem>>, %arg6: memref<32xi32, #tpu.memory_space<vmem>>, %arg7: memref<32xi32, #tpu.memory_space<vmem>>, %arg8: memref<32xi32, #tpu.memory_space<vmem>>, %arg9: memref<32x1024xf32, #tpu.memory_space<vmem>>, %arg10: memref<32x1024xf32, #tpu.memory_space<vmem>>, %arg11: memref<!tpu.dma_semaphore, #tpu.memory_space<semaphore_mem>>, %arg12: memref<!tpu.dma_semaphore, #tpu.memory_space<semaphore_mem>>, %arg13: memref<!tpu.dma_semaphore, #tpu.memory_space<semaphore_mem>>, %arg14: memref<!tpu.dma_semaphore, #tpu.memory_space<semaphore_mem>>) attributes {dimension_semantics = [#tpu.dimension_semantics<core_parallel>, #tpu.dimension_semantics<subcore_parallel>], iteration_bounds = array<i64: 2, 16>, scalar_prefetch = 0 : i64, scratch_operands = 10 : i64, tpu.core_type = #tpu.core_type<sc_vector_subcore>, window_params = [{transform_indices = #map}, {transform_indices = #map1}, {transform_indices = #map1}]} {
    %mul3A = arith.constant 2 : i32
    %mul3A_0 = arith.muli %arg1, %mul3A : i32
    %add3A = arith.addi %mul3A_0, %arg0 : i32
    %mul3A_1 = arith.constant 128 : i32
    %mul3A_2 = arith.muli %add3A, %mul3A_1 : i32
    %add3A_3 = arith.constant 0 : i32
    %add3A_4 = arith.addi %mul3A_2, %add3A_3 : i32
    "tpu.region"() ({
      %run_scoped3A = tpu.sem_alloc : memref<!tpu.dma_semaphore, #tpu.memory_space<semaphore_mem>>
      %dma_start3A_73 = tpu.memref_slice %arg2[%add3A_4] : memref<4096xi32, #tpu.memory_space<hbm>> -> memref<32xi32, #tpu.memory_space<hbm>>
      %dma_start3A_74 = tpu.memref_slice %arg2[%add3A_4] : memref<4096xi32, #tpu.memory_space<hbm>> -> memref<32xi32, #tpu.memory_space<hbm>>
      tpu.enqueue_dma source(%dma_start3A_74 : memref<32xi32, #tpu.memory_space<hbm>>) target(%arg5 : memref<32xi32, #tpu.memory_space<vmem>>) target_semaphore(%run_scoped3A : memref<!tpu.dma_semaphore, #tpu.memory_space<semaphore_mem>>)
      %dma_wait3A_75 = tpu.memref_slice %arg2[%add3A_4] : memref<4096xi32, #tpu.memory_space<hbm>> -> memref<32xi32, #tpu.memory_space<hbm>>
      %dma_wait3A_76 = tpu.memref_slice %arg2[%add3A_4] : memref<4096xi32, #tpu.memory_space<hbm>> -> memref<32xi32, #tpu.memory_space<hbm>>
      tpu.wait_dma2 semaphore(%run_scoped3A : memref<!tpu.dma_semaphore, #tpu.memory_space<semaphore_mem>>) src(%dma_wait3A_76 : memref<32xi32, #tpu.memory_space<hbm>>) dst(%arg5 : memref<32xi32, #tpu.memory_space<vmem>>)
      tpu.yield
    }) : () -> ()
    %add3A_5 = arith.constant 32 : i32
    %add3A_6 = arith.addi %mul3A_2, %add3A_5 : i32
    "tpu.region"() ({
      %run_scoped3A = tpu.sem_alloc : memref<!tpu.dma_semaphore, #tpu.memory_space<semaphore_mem>>
      %dma_start3A_73 = tpu.memref_slice %arg2[%add3A_6] : memref<4096xi32, #tpu.memory_space<hbm>> -> memref<32xi32, #tpu.memory_space<hbm>>
      %dma_start3A_74 = tpu.memref_slice %arg2[%add3A_6] : memref<4096xi32, #tpu.memory_space<hbm>> -> memref<32xi32, #tpu.memory_space<hbm>>
      tpu.enqueue_dma source(%dma_start3A_74 : memref<32xi32, #tpu.memory_space<hbm>>) target(%arg6 : memref<32xi32, #tpu.memory_space<vmem>>) target_semaphore(%run_scoped3A : memref<!tpu.dma_semaphore, #tpu.memory_space<semaphore_mem>>)
      %dma_wait3A_75 = tpu.memref_slice %arg2[%add3A_6] : memref<4096xi32, #tpu.memory_space<hbm>> -> memref<32xi32, #tpu.memory_space<hbm>>
      %dma_wait3A_76 = tpu.memref_slice %arg2[%add3A_6] : memref<4096xi32, #tpu.memory_space<hbm>> -> memref<32xi32, #tpu.memory_space<hbm>>
      tpu.wait_dma2 semaphore(%run_scoped3A : memref<!tpu.dma_semaphore, #tpu.memory_space<semaphore_mem>>) src(%dma_wait3A_76 : memref<32xi32, #tpu.memory_space<hbm>>) dst(%arg6 : memref<32xi32, #tpu.memory_space<vmem>>)
      tpu.yield
    }) : () -> ()
    %add3A_7 = arith.constant 64 : i32
    %add3A_8 = arith.addi %mul3A_2, %add3A_7 : i32
    "tpu.region"() ({
      %run_scoped3A = tpu.sem_alloc : memref<!tpu.dma_semaphore, #tpu.memory_space<semaphore_mem>>
      %dma_start3A_73 = tpu.memref_slice %arg2[%add3A_8] : memref<4096xi32, #tpu.memory_space<hbm>> -> memref<32xi32, #tpu.memory_space<hbm>>
      %dma_start3A_74 = tpu.memref_slice %arg2[%add3A_8] : memref<4096xi32, #tpu.memory_space<hbm>> -> memref<32xi32, #tpu.memory_space<hbm>>
      tpu.enqueue_dma source(%dma_start3A_74 : memref<32xi32, #tpu.memory_space<hbm>>) target(%arg7 : memref<32xi32, #tpu.memory_space<vmem>>) target_semaphore(%run_scoped3A : memref<!tpu.dma_semaphore, #tpu.memory_space<semaphore_mem>>)
      %dma_wait3A_75 = tpu.memref_slice %arg2[%add3A_8] : memref<4096xi32, #tpu.memory_space<hbm>> -> memref<32xi32, #tpu.memory_space<hbm>>
      %dma_wait3A_76 = tpu.memref_slice %arg2[%add3A_8] : memref<4096xi32, #tpu.memory_space<hbm>> -> memref<32xi32, #tpu.memory_space<hbm>>
      tpu.wait_dma2 semaphore(%run_scoped3A : memref<!tpu.dma_semaphore, #tpu.memory_space<semaphore_mem>>) src(%dma_wait3A_76 : memref<32xi32, #tpu.memory_space<hbm>>) dst(%arg7 : memref<32xi32, #tpu.memory_space<vmem>>)
      tpu.yield
    }) : () -> ()
    %add3A_9 = arith.constant 96 : i32
    %add3A_10 = arith.addi %mul3A_2, %add3A_9 : i32
    "tpu.region"() ({
      %run_scoped3A = tpu.sem_alloc : memref<!tpu.dma_semaphore, #tpu.memory_space<semaphore_mem>>
      %dma_start3A_73 = tpu.memref_slice %arg2[%add3A_10] : memref<4096xi32, #tpu.memory_space<hbm>> -> memref<32xi32, #tpu.memory_space<hbm>>
      %dma_start3A_74 = tpu.memref_slice %arg2[%add3A_10] : memref<4096xi32, #tpu.memory_space<hbm>> -> memref<32xi32, #tpu.memory_space<hbm>>
      tpu.enqueue_dma source(%dma_start3A_74 : memref<32xi32, #tpu.memory_space<hbm>>) target(%arg8 : memref<32xi32, #tpu.memory_space<vmem>>) target_semaphore(%run_scoped3A : memref<!tpu.dma_semaphore, #tpu.memory_space<semaphore_mem>>)
      %dma_wait3A_75 = tpu.memref_slice %arg2[%add3A_10] : memref<4096xi32, #tpu.memory_space<hbm>> -> memref<32xi32, #tpu.memory_space<hbm>>
      %dma_wait3A_76 = tpu.memref_slice %arg2[%add3A_10] : memref<4096xi32, #tpu.memory_space<hbm>> -> memref<32xi32, #tpu.memory_space<hbm>>
      tpu.wait_dma2 semaphore(%run_scoped3A : memref<!tpu.dma_semaphore, #tpu.memory_space<semaphore_mem>>) src(%dma_wait3A_76 : memref<32xi32, #tpu.memory_space<hbm>>) dst(%arg8 : memref<32xi32, #tpu.memory_space<vmem>>)
      tpu.yield
    }) : () -> ()
    %dma_start3A = arith.constant 0 : i32
    %dma_start3A_11 = arith.constant 0 : i32
    %dma_start3A_12 = tpu.memref_slice %arg3[%dma_start3A, %dma_start3A_11] : memref<6144x1024xf32, #tpu.memory_space<hbm>> -> memref<6144x1024xf32, #tpu.memory_space<hbm>>
    tpu.enqueue_indirect_dma source(%dma_start3A_12 : memref<6144x1024xf32, #tpu.memory_space<hbm>>) target(%arg9 : memref<32x1024xf32, #tpu.memory_space<vmem>>) offsets(%arg5 : memref<32xi32, #tpu.memory_space<vmem>>) semaphore(%arg11 : memref<!tpu.dma_semaphore, #tpu.memory_space<semaphore_mem>>)
    %dma_start3A_13 = arith.constant 0 : i32
    %dma_start3A_14 = arith.constant 0 : i32
    %dma_start3A_15 = tpu.memref_slice %arg3[%dma_start3A_13, %dma_start3A_14] : memref<6144x1024xf32, #tpu.memory_space<hbm>> -> memref<6144x1024xf32, #tpu.memory_space<hbm>>
    tpu.enqueue_indirect_dma source(%dma_start3A_15 : memref<6144x1024xf32, #tpu.memory_space<hbm>>) target(%arg10 : memref<32x1024xf32, #tpu.memory_space<vmem>>) offsets(%arg6 : memref<32xi32, #tpu.memory_space<vmem>>) semaphore(%arg12 : memref<!tpu.dma_semaphore, #tpu.memory_space<semaphore_mem>>)
    %dma_wait3A = arith.constant 0 : i32
    %dma_wait3A_16 = arith.constant 0 : i32
    %dma_wait3A_17 = tpu.memref_slice %arg3[%dma_wait3A, %dma_wait3A_16] : memref<6144x1024xf32, #tpu.memory_space<hbm>> -> memref<6144x1024xf32, #tpu.memory_space<hbm>>
    tpu.wait_indirect_dma semaphore(%arg11 : memref<!tpu.dma_semaphore, #tpu.memory_space<semaphore_mem>>) src(%dma_wait3A_17 : memref<6144x1024xf32, #tpu.memory_space<hbm>>) dst(%arg9 : memref<32x1024xf32, #tpu.memory_space<vmem>>)
    %add3A_18 = arith.constant 0 : i32
    %add3A_19 = arith.addi %mul3A_2, %add3A_18 : i32
    %dma_start3A_20 = arith.constant 0 : i32
    %dma_start3A_21 = tpu.memref_slice %arg4[%add3A_19, %dma_start3A_20] : memref<4096x1024xf32, #tpu.memory_space<hbm>> -> memref<32x1024xf32, #tpu.memory_space<hbm>>
    %dma_start3A_22 = arith.constant 0 : i32
    %dma_start3A_23 = tpu.memref_slice %arg4[%add3A_19, %dma_start3A_22] : memref<4096x1024xf32, #tpu.memory_space<hbm>> -> memref<32x1024xf32, #tpu.memory_space<hbm>>
    tpu.enqueue_dma source(%arg9 : memref<32x1024xf32, #tpu.memory_space<vmem>>) target(%dma_start3A_23 : memref<32x1024xf32, #tpu.memory_space<hbm>>) target_semaphore(%arg13 : memref<!tpu.dma_semaphore, #tpu.memory_space<semaphore_mem>>)
    %dma_wait3A_24 = arith.constant 0 : i32
    %dma_wait3A_25 = tpu.memref_slice %arg4[%add3A_19, %dma_wait3A_24] : memref<4096x1024xf32, #tpu.memory_space<hbm>> -> memref<32x1024xf32, #tpu.memory_space<hbm>>
    %dma_wait3A_26 = arith.constant 0 : i32
    %dma_wait3A_27 = tpu.memref_slice %arg4[%add3A_19, %dma_wait3A_26] : memref<4096x1024xf32, #tpu.memory_space<hbm>> -> memref<32x1024xf32, #tpu.memory_space<hbm>>
    tpu.wait_dma2 semaphore(%arg13 : memref<!tpu.dma_semaphore, #tpu.memory_space<semaphore_mem>>) src(%arg9 : memref<32x1024xf32, #tpu.memory_space<vmem>>) dst(%dma_wait3A_27 : memref<32x1024xf32, #tpu.memory_space<hbm>>)
    %dma_start3A_28 = arith.constant 0 : i32
    %dma_start3A_29 = arith.constant 0 : i32
    %dma_start3A_30 = tpu.memref_slice %arg3[%dma_start3A_28, %dma_start3A_29] : memref<6144x1024xf32, #tpu.memory_space<hbm>> -> memref<6144x1024xf32, #tpu.memory_space<hbm>>
    tpu.enqueue_indirect_dma source(%dma_start3A_30 : memref<6144x1024xf32, #tpu.memory_space<hbm>>) target(%arg9 : memref<32x1024xf32, #tpu.memory_space<vmem>>) offsets(%arg7 : memref<32xi32, #tpu.memory_space<vmem>>) semaphore(%arg11 : memref<!tpu.dma_semaphore, #tpu.memory_space<semaphore_mem>>)
    %dma_wait3A_31 = arith.constant 0 : i32
    %dma_wait3A_32 = arith.constant 0 : i32
    %dma_wait3A_33 = tpu.memref_slice %arg3[%dma_wait3A_31, %dma_wait3A_32] : memref<6144x1024xf32, #tpu.memory_space<hbm>> -> memref<6144x1024xf32, #tpu.memory_space<hbm>>
    tpu.wait_indirect_dma semaphore(%arg12 : memref<!tpu.dma_semaphore, #tpu.memory_space<semaphore_mem>>) src(%dma_wait3A_33 : memref<6144x1024xf32, #tpu.memory_space<hbm>>) dst(%arg10 : memref<32x1024xf32, #tpu.memory_space<vmem>>)
    %add3A_34 = arith.constant 32 : i32
    %add3A_35 = arith.addi %mul3A_2, %add3A_34 : i32
    %dma_start3A_36 = arith.constant 0 : i32
    %dma_start3A_37 = tpu.memref_slice %arg4[%add3A_35, %dma_start3A_36] : memref<4096x1024xf32, #tpu.memory_space<hbm>> -> memref<32x1024xf32, #tpu.memory_space<hbm>>
    %dma_start3A_38 = arith.constant 0 : i32
    %dma_start3A_39 = tpu.memref_slice %arg4[%add3A_35, %dma_start3A_38] : memref<4096x1024xf32, #tpu.memory_space<hbm>> -> memref<32x1024xf32, #tpu.memory_space<hbm>>
    tpu.enqueue_dma source(%arg10 : memref<32x1024xf32, #tpu.memory_space<vmem>>) target(%dma_start3A_39 : memref<32x1024xf32, #tpu.memory_space<hbm>>) target_semaphore(%arg14 : memref<!tpu.dma_semaphore, #tpu.memory_space<semaphore_mem>>)
    %dma_wait3A_40 = arith.constant 0 : i32
    %dma_wait3A_41 = tpu.memref_slice %arg4[%add3A_35, %dma_wait3A_40] : memref<4096x1024xf32, #tpu.memory_space<hbm>> -> memref<32x1024xf32, #tpu.memory_space<hbm>>
    %dma_wait3A_42 = arith.constant 0 : i32
    %dma_wait3A_43 = tpu.memref_slice %arg4[%add3A_35, %dma_wait3A_42] : memref<4096x1024xf32, #tpu.memory_space<hbm>> -> memref<32x1024xf32, #tpu.memory_space<hbm>>
    tpu.wait_dma2 semaphore(%arg14 : memref<!tpu.dma_semaphore, #tpu.memory_space<semaphore_mem>>) src(%arg10 : memref<32x1024xf32, #tpu.memory_space<vmem>>) dst(%dma_wait3A_43 : memref<32x1024xf32, #tpu.memory_space<hbm>>)
    %dma_start3A_44 = arith.constant 0 : i32
    %dma_start3A_45 = arith.constant 0 : i32
    %dma_start3A_46 = tpu.memref_slice %arg3[%dma_start3A_44, %dma_start3A_45] : memref<6144x1024xf32, #tpu.memory_space<hbm>> -> memref<6144x1024xf32, #tpu.memory_space<hbm>>
    tpu.enqueue_indirect_dma source(%dma_start3A_46 : memref<6144x1024xf32, #tpu.memory_space<hbm>>) target(%arg10 : memref<32x1024xf32, #tpu.memory_space<vmem>>) offsets(%arg8 : memref<32xi32, #tpu.memory_space<vmem>>) semaphore(%arg12 : memref<!tpu.dma_semaphore, #tpu.memory_space<semaphore_mem>>)
    %dma_wait3A_47 = arith.constant 0 : i32
    %dma_wait3A_48 = arith.constant 0 : i32
    %dma_wait3A_49 = tpu.memref_slice %arg3[%dma_wait3A_47, %dma_wait3A_48] : memref<6144x1024xf32, #tpu.memory_space<hbm>> -> memref<6144x1024xf32, #tpu.memory_space<hbm>>
    tpu.wait_indirect_dma semaphore(%arg11 : memref<!tpu.dma_semaphore, #tpu.memory_space<semaphore_mem>>) src(%dma_wait3A_49 : memref<6144x1024xf32, #tpu.memory_space<hbm>>) dst(%arg9 : memref<32x1024xf32, #tpu.memory_space<vmem>>)
    %add3A_50 = arith.constant 64 : i32
    %add3A_51 = arith.addi %mul3A_2, %add3A_50 : i32
    %dma_start3A_52 = arith.constant 0 : i32
    %dma_start3A_53 = tpu.memref_slice %arg4[%add3A_51, %dma_start3A_52] : memref<4096x1024xf32, #tpu.memory_space<hbm>> -> memref<32x1024xf32, #tpu.memory_space<hbm>>
    %dma_start3A_54 = arith.constant 0 : i32
    %dma_start3A_55 = tpu.memref_slice %arg4[%add3A_51, %dma_start3A_54] : memref<4096x1024xf32, #tpu.memory_space<hbm>> -> memref<32x1024xf32, #tpu.memory_space<hbm>>
    tpu.enqueue_dma source(%arg9 : memref<32x1024xf32, #tpu.memory_space<vmem>>) target(%dma_start3A_55 : memref<32x1024xf32, #tpu.memory_space<hbm>>) target_semaphore(%arg13 : memref<!tpu.dma_semaphore, #tpu.memory_space<semaphore_mem>>)
    %dma_wait3A_56 = arith.constant 0 : i32
    %dma_wait3A_57 = arith.constant 0 : i32
    %dma_wait3A_58 = tpu.memref_slice %arg3[%dma_wait3A_56, %dma_wait3A_57] : memref<6144x1024xf32, #tpu.memory_space<hbm>> -> memref<6144x1024xf32, #tpu.memory_space<hbm>>
    tpu.wait_indirect_dma semaphore(%arg12 : memref<!tpu.dma_semaphore, #tpu.memory_space<semaphore_mem>>) src(%dma_wait3A_58 : memref<6144x1024xf32, #tpu.memory_space<hbm>>) dst(%arg10 : memref<32x1024xf32, #tpu.memory_space<vmem>>)
    %add3A_59 = arith.constant 96 : i32
    %add3A_60 = arith.addi %mul3A_2, %add3A_59 : i32
    %dma_start3A_61 = arith.constant 0 : i32
    %dma_start3A_62 = tpu.memref_slice %arg4[%add3A_60, %dma_start3A_61] : memref<4096x1024xf32, #tpu.memory_space<hbm>> -> memref<32x1024xf32, #tpu.memory_space<hbm>>
    %dma_start3A_63 = arith.constant 0 : i32
    %dma_start3A_64 = tpu.memref_slice %arg4[%add3A_60, %dma_start3A_63] : memref<4096x1024xf32, #tpu.memory_space<hbm>> -> memref<32x1024xf32, #tpu.memory_space<hbm>>
    tpu.enqueue_dma source(%arg10 : memref<32x1024xf32, #tpu.memory_space<vmem>>) target(%dma_start3A_64 : memref<32x1024xf32, #tpu.memory_space<hbm>>) target_semaphore(%arg14 : memref<!tpu.dma_semaphore, #tpu.memory_space<semaphore_mem>>)
    %dma_wait3A_65 = arith.constant 0 : i32
    %dma_wait3A_66 = tpu.memref_slice %arg4[%add3A_51, %dma_wait3A_65] : memref<4096x1024xf32, #tpu.memory_space<hbm>> -> memref<32x1024xf32, #tpu.memory_space<hbm>>
    %dma_wait3A_67 = arith.constant 0 : i32
    %dma_wait3A_68 = tpu.memref_slice %arg4[%add3A_51, %dma_wait3A_67] : memref<4096x1024xf32, #tpu.memory_space<hbm>> -> memref<32x1024xf32, #tpu.memory_space<hbm>>
    tpu.wait_dma2 semaphore(%arg13 : memref<!tpu.dma_semaphore, #tpu.memory_space<semaphore_mem>>) src(%arg9 : memref<32x1024xf32, #tpu.memory_space<vmem>>) dst(%dma_wait3A_68 : memref<32x1024xf32, #tpu.memory_space<hbm>>)
    %dma_wait3A_69 = arith.constant 0 : i32
    %dma_wait3A_70 = tpu.memref_slice %arg4[%add3A_60, %dma_wait3A_69] : memref<4096x1024xf32, #tpu.memory_space<hbm>> -> memref<32x1024xf32, #tpu.memory_space<hbm>>
    %dma_wait3A_71 = arith.constant 0 : i32
    %dma_wait3A_72 = tpu.memref_slice %arg4[%add3A_60, %dma_wait3A_71] : memref<4096x1024xf32, #tpu.memory_space<hbm>> -> memref<32x1024xf32, #tpu.memory_space<hbm>>
    tpu.wait_dma2 semaphore(%arg14 : memref<!tpu.dma_semaphore, #tpu.memory_space<semaphore_mem>>) src(%arg10 : memref<32x1024xf32, #tpu.memory_space<vmem>>) dst(%dma_wait3A_72 : memref<32x1024xf32, #tpu.memory_space<hbm>>)
    return
  }
}

module attributes {stable_mosaic.version = 14 : i64} {
  func.func @_ffn_body(%arg0: i32, %arg1: memref<25xi32, #tpu.memory_space<smem>>, %arg2: memref<256x1024xf32, #tpu.memory_space<vmem>>, %arg3: memref<1x1024x512xf32, #tpu.memory_space<vmem>>, %arg4: memref<1x1024x512xf32, #tpu.memory_space<vmem>>, %arg5: memref<1x512x1024xf32, #tpu.memory_space<vmem>>, %arg6: memref<256x1024xf32, #tpu.memory_space<vmem>>) attributes {dimension_semantics = [#tpu.dimension_semantics<arbitrary>], iteration_bounds = array<i64: 24>, scalar_prefetch = 1 : i64, scratch_operands = 0 : i64, tpu.core_type = #tpu.core_type<tc>, window_params = [{transform_indices = @transform_0, window_bounds = array<i64: 256, 1024>}, {transform_indices = @transform_1, window_bounds = array<i64: 1, 1024, 512>}, {transform_indices = @transform_2, window_bounds = array<i64: 1, 1024, 512>}, {transform_indices = @transform_3, window_bounds = array<i64: 1, 512, 1024>}, {transform_indices = @transform_4, window_bounds = array<i64: 256, 1024>}]} {
    %get3A = arith.constant 24 : index
    %get3A_0 = memref.load %arg1[%get3A] : memref<25xi32, #tpu.memory_space<smem>>
    %lt3A = arith.cmpi slt, %arg0, %get3A_0 : i32
    %convert_element_type3A = arith.extui %lt3A : i1 to i32
    %cond3A = arith.constant 0 : i32
    %cond3A_1 = arith.cmpi ne, %convert_element_type3A, %cond3A : i32
    scf.if %cond3A_1 {
      %get3A_2 = arith.constant 0 : index
      %get3A_3 = arith.constant 0 : index
      %get3A_4 = vector.load %arg2[%get3A_2, %get3A_3] : memref<256x1024xf32, #tpu.memory_space<vmem>>, vector<256x1024xf32>
      %get3A_5 = arith.constant 0 : index
      %get3A_6 = arith.constant 0 : index
      %get3A_7 = arith.constant 0 : index
      %get3A_8 = vector.load %arg3[%get3A_5, %get3A_6, %get3A_7] : memref<1x1024x512xf32, #tpu.memory_space<vmem>>, vector<1x1024x512xf32>
      %get3A_9 = vector.shape_cast %get3A_8 : vector<1x1024x512xf32> to vector<1024x512xf32>
      %dot_general3A = arith.constant dense<0.000000e+00> : vector<256x512xf32>
      %dot_general3A_10 = tpu.matmul %get3A_4, %get3A_9, %dot_general3A {dimension_numbers = #tpu.dot_dimension_numbers<[1], [0], [0], [1], [0, 0, 1, 1], [], []>, transpose_lhs_hint = false} : vector<256x1024xf32>, vector<1024x512xf32>, vector<256x512xf32> -> vector<256x512xf32>
      %get3A_11 = arith.constant 0 : index
      %get3A_12 = arith.constant 0 : index
      %get3A_13 = arith.constant 0 : index
      %get3A_14 = vector.load %arg4[%get3A_11, %get3A_12, %get3A_13] : memref<1x1024x512xf32, #tpu.memory_space<vmem>>, vector<1x1024x512xf32>
      %get3A_15 = vector.shape_cast %get3A_14 : vector<1x1024x512xf32> to vector<1024x512xf32>
      %dot_general3A_16 = arith.constant dense<0.000000e+00> : vector<256x512xf32>
      %dot_general3A_17 = tpu.matmul %get3A_4, %get3A_15, %dot_general3A_16 {dimension_numbers = #tpu.dot_dimension_numbers<[1], [0], [0], [1], [0, 0, 1, 1], [], []>, transpose_lhs_hint = false} : vector<256x1024xf32>, vector<1024x512xf32>, vector<256x512xf32> -> vector<256x512xf32>
      %logistic3A = arith.negf %dot_general3A_10 : vector<256x512xf32>
      %logistic3A_18 = math.exp %logistic3A : vector<256x512xf32>
      %logistic3A_19 = arith.constant 1.000000e+00 : f32
      %logistic3A_20 = vector.broadcast %logistic3A_19 : f32 to vector<256x512xf32>
      %logistic3A_21 = arith.addf %logistic3A_20, %logistic3A_18 : vector<256x512xf32>
      %logistic3A_22 = arith.divf %logistic3A_20, %logistic3A_21 : vector<256x512xf32>
      %mul3A = arith.mulf %dot_general3A_10, %logistic3A_22 : vector<256x512xf32>
      %mul3A_23 = arith.mulf %mul3A, %dot_general3A_17 : vector<256x512xf32>
      %get3A_24 = arith.constant 0 : index
      %get3A_25 = arith.constant 0 : index
      %get3A_26 = arith.constant 0 : index
      %get3A_27 = vector.load %arg5[%get3A_24, %get3A_25, %get3A_26] : memref<1x512x1024xf32, #tpu.memory_space<vmem>>, vector<1x512x1024xf32>
      %get3A_28 = vector.shape_cast %get3A_27 : vector<1x512x1024xf32> to vector<512x1024xf32>
      %dot_general3A_29 = arith.constant dense<0.000000e+00> : vector<256x1024xf32>
      %dot_general3A_30 = tpu.matmul %mul3A_23, %get3A_28, %dot_general3A_29 {dimension_numbers = #tpu.dot_dimension_numbers<[1], [0], [0], [1], [0, 0, 1, 1], [], []>, transpose_lhs_hint = false} : vector<256x512xf32>, vector<512x1024xf32>, vector<256x1024xf32> -> vector<256x1024xf32>
      %swap3A = arith.constant 0 : index
      %swap3A_31 = arith.constant 0 : index
      %swap3A_32 = vector.load %arg6[%swap3A, %swap3A_31] : memref<256x1024xf32, #tpu.memory_space<vmem>>, vector<256x1024xf32>
      tpu.vector_store %arg6[%swap3A, %swap3A_31], %dot_general3A_30 {strides = array<i32>} : memref<256x1024xf32, #tpu.memory_space<vmem>>, vector<256x1024xf32>,
    } else {
    }
    return
  }
  func.func @transform_0(%arg0: i32, %arg1: memref<25xi32, #tpu.memory_space<smem>>) -> (i32, i32) {
    %get3A = arith.constant 24 : index
    %get3A_0 = memref.load %arg1[%get3A] : memref<25xi32, #tpu.memory_space<smem>>
    %sub3A = arith.constant 1 : i32
    %sub3A_1 = arith.subi %get3A_0, %sub3A : i32
    %min3A = arith.minsi %arg0, %sub3A_1 : i32
    %c0_i32 = arith.constant 0 : i32
    %c0_i32_2 = arith.constant 0 : i32
    return %min3A, %c0_i32 : i32, i32
  }
  func.func @transform_1(%arg0: i32, %arg1: memref<25xi32, #tpu.memory_space<smem>>) -> (i32, i32, i32) {
    %get3A = arith.index_cast %arg0 : i32 to index
    %get3A_0 = memref.load %arg1[%get3A] : memref<25xi32, #tpu.memory_space<smem>>
    %c0_i32 = arith.constant 0 : i32
    %c0_i32_1 = arith.constant 0 : i32
    %c0_i32_2 = arith.constant 0 : i32
    return %get3A_0, %c0_i32, %c0_i32_1 : i32, i32, i32
  }
  func.func @transform_2(%arg0: i32, %arg1: memref<25xi32, #tpu.memory_space<smem>>) -> (i32, i32, i32) {
    %get3A = arith.index_cast %arg0 : i32 to index
    %get3A_0 = memref.load %arg1[%get3A] : memref<25xi32, #tpu.memory_space<smem>>
    %c0_i32 = arith.constant 0 : i32
    %c0_i32_1 = arith.constant 0 : i32
    %c0_i32_2 = arith.constant 0 : i32
    return %get3A_0, %c0_i32, %c0_i32_1 : i32, i32, i32
  }
  func.func @transform_3(%arg0: i32, %arg1: memref<25xi32, #tpu.memory_space<smem>>) -> (i32, i32, i32) {
    %get3A = arith.index_cast %arg0 : i32 to index
    %get3A_0 = memref.load %arg1[%get3A] : memref<25xi32, #tpu.memory_space<smem>>
    %c0_i32 = arith.constant 0 : i32
    %c0_i32_1 = arith.constant 0 : i32
    %c0_i32_2 = arith.constant 0 : i32
    return %get3A_0, %c0_i32, %c0_i32_1 : i32, i32, i32
  }
  func.func @transform_4(%arg0: i32, %arg1: memref<25xi32, #tpu.memory_space<smem>>) -> (i32, i32) {
    %get3A = arith.constant 24 : index
    %get3A_0 = memref.load %arg1[%get3A] : memref<25xi32, #tpu.memory_space<smem>>
    %sub3A = arith.constant 1 : i32
    %sub3A_1 = arith.subi %get3A_0, %sub3A : i32
    %min3A = arith.minsi %arg0, %sub3A_1 : i32
    %c0_i32 = arith.constant 0 : i32
    %c0_i32_2 = arith.constant 0 : i32
    return %min3A, %c0_i32 : i32, i32
  }
}

module attributes {stable_mosaic.version = 14 : i64} {
  func.func @_cadd_body(%arg0: i32, %arg1: memref<512x1024xf32, #tpu.memory_space<vmem>>, %arg2: memref<512x1024xf32, #tpu.memory_space<vmem>>, %arg3: memref<512x1xf32, #tpu.memory_space<vmem>>, %arg4: memref<512x1xf32, #tpu.memory_space<vmem>>, %arg5: memref<512x1024xf32, #tpu.memory_space<vmem>>) attributes {dimension_semantics = [#tpu.dimension_semantics<parallel>], iteration_bounds = array<i64: 4>, scalar_prefetch = 0 : i64, scratch_operands = 0 : i64, tpu.core_type = #tpu.core_type<tc>, window_params = [{transform_indices = @transform_0, window_bounds = array<i64: 512, 1024>}, {transform_indices = @transform_1, window_bounds = array<i64: 512, 1024>}, {transform_indices = @transform_2, window_bounds = array<i64: 512, 1>}, {transform_indices = @transform_3, window_bounds = array<i64: 512, 1>}, {transform_indices = @transform_4, window_bounds = array<i64: 512, 1024>}]} {
    %get3A = arith.constant 0 : index
    %get3A_0 = arith.constant 0 : index
    %get3A_1 = vector.load %arg1[%get3A, %get3A_0] : memref<512x1024xf32, #tpu.memory_space<vmem>>, vector<512x1024xf32>
    %get3A_2 = arith.constant 0 : index
    %get3A_3 = arith.constant 0 : index
    %get3A_4 = vector.load %arg3[%get3A_2, %get3A_3] : memref<512x1xf32, #tpu.memory_space<vmem>>, vector<512x1xf32>
    %mul3A = vector.broadcast %get3A_4 : vector<512x1xf32> to vector<512x1024xf32>
    %mul3A_5 = arith.mulf %get3A_1, %mul3A : vector<512x1024xf32>
    %get3A_6 = arith.constant 0 : index
    %get3A_7 = arith.constant 0 : index
    %get3A_8 = vector.load %arg2[%get3A_6, %get3A_7] : memref<512x1024xf32, #tpu.memory_space<vmem>>, vector<512x1024xf32>
    %get3A_9 = arith.constant 0 : index
    %get3A_10 = arith.constant 0 : index
    %get3A_11 = vector.load %arg4[%get3A_9, %get3A_10] : memref<512x1xf32, #tpu.memory_space<vmem>>, vector<512x1xf32>
    %mul3A_12 = vector.broadcast %get3A_11 : vector<512x1xf32> to vector<512x1024xf32>
    %mul3A_13 = arith.mulf %get3A_8, %mul3A_12 : vector<512x1024xf32>
    %add3A = arith.addf %mul3A_5, %mul3A_13 : vector<512x1024xf32>
    %swap3A = arith.constant 0 : index
    %swap3A_14 = arith.constant 0 : index
    %swap3A_15 = vector.load %arg5[%swap3A, %swap3A_14] : memref<512x1024xf32, #tpu.memory_space<vmem>>, vector<512x1024xf32>
    tpu.vector_store %arg5[%swap3A, %swap3A_14], %add3A {strides = array<i32>} : memref<512x1024xf32, #tpu.memory_space<vmem>>, vector<512x1024xf32>,
    return
  }
  func.func @transform_0(%arg0: i32) -> (i32, i32) {
    %c0_i32 = arith.constant 0 : i32
    %c0_i32_0 = arith.constant 0 : i32
    return %arg0, %c0_i32 : i32, i32
  }
  func.func @transform_1(%arg0: i32) -> (i32, i32) {
    %add3A = arith.constant 4 : i32
    %add3A_0 = arith.addi %arg0, %add3A : i32
    %c0_i32 = arith.constant 0 : i32
    %c0_i32_1 = arith.constant 0 : i32
    return %add3A_0, %c0_i32 : i32, i32
  }
  func.func @transform_2(%arg0: i32) -> (i32, i32) {
    %c0_i32 = arith.constant 0 : i32
    %c0_i32_0 = arith.constant 0 : i32
    return %arg0, %c0_i32 : i32, i32
  }
  func.func @transform_3(%arg0: i32) -> (i32, i32) {
    %add3A = arith.constant 4 : i32
    %add3A_0 = arith.addi %arg0, %add3A : i32
    %c0_i32 = arith.constant 0 : i32
    %c0_i32_1 = arith.constant 0 : i32
    return %add3A_0, %c0_i32 : i32, i32
  }
  func.func @transform_4(%arg0: i32) -> (i32, i32) {
    %c0_i32 = arith.constant 0 : i32
    %c0_i32_0 = arith.constant 0 : i32
    return %arg0, %c0_i32 : i32, i32
  }
}

module attributes {stable_mosaic.version = 14 : i64} {
  func.func @_router_body(%arg0: memref<2048x1024xf32, #tpu.memory_space<vmem>>, %arg1: memref<8x1024xf32, #tpu.memory_space<vmem>>, %arg2: memref<4096xi32, #tpu.memory_space<vmem>>, %arg3: memref<4096x1xf32, #tpu.memory_space<vmem>>, %arg4: memref<25xi32, #tpu.memory_space<vmem>>) attributes {dimension_semantics = [], scalar_prefetch = 0 : i64, scratch_operands = 0 : i64, tpu.core_type = #tpu.core_type<tc>} {
    %get3A = arith.constant 0 : index
    %get3A_0 = arith.constant 0 : index
    %get3A_1 = vector.load %arg0[%get3A, %get3A_0] : memref<2048x1024xf32, #tpu.memory_space<vmem>>, vector<2048x1024xf32>
    %get3A_2 = arith.constant 0 : index
    %get3A_3 = arith.constant 0 : index
    %get3A_4 = vector.load %arg1[%get3A_2, %get3A_3] : memref<8x1024xf32, #tpu.memory_space<vmem>>, vector<8x1024xf32>
    %dot_general3A = arith.constant dense<0.000000e+00> : vector<2048x8xf32>
    %dot_general3A_5 = tpu.matmul %get3A_1, %get3A_4, %dot_general3A {dimension_numbers = #tpu.dot_dimension_numbers<[1], [1], [0], [0], [0, 0, 1, 0], [], []>, transpose_lhs_hint = false} : vector<2048x1024xf32>, vector<8x1024xf32>, vector<2048x8xf32> -> vector<2048x8xf32>
    %iota3A = tpu.iota {dimensions = array<i32: 1>} : vector<2048x8xi32>
    %reduce_max3A = arith.constant dense<0xFF800000> : vector<2048xf32>
    %reduce_max3A_6 = vector.multi_reduction <maximumf>, %dot_general3A_5, %reduce_max3A [1] : vector<2048x8xf32> to vector<2048xf32>
    %broadcast_in_dim3A = vector.shape_cast %reduce_max3A_6 : vector<2048xf32> to vector<2048x1xf32>
    %eq3A = vector.broadcast %broadcast_in_dim3A : vector<2048x1xf32> to vector<2048x8xf32>
    %eq3A_7 = arith.cmpf oeq, %dot_general3A_5, %eq3A : vector<2048x8xf32>
    %jit3A = arith.constant 8 : i32
    %broadcast_in_dim3A_8 = vector.broadcast %jit3A : i32 to vector<2048x8xi32>
    %select_n3A = arith.select %eq3A_7, %iota3A, %broadcast_in_dim3A_8 : vector<2048x8xi1>, vector<2048x8xi32>
    %reduce_min3A = arith.constant dense<2147483647> : vector<2048xi32>
    %reduce_min3A_9 = vector.multi_reduction <minsi>, %select_n3A, %reduce_min3A [1] : vector<2048x8xi32> to vector<2048xi32>
    %broadcast_in_dim3A_10 = vector.shape_cast %reduce_min3A_9 : vector<2048xi32> to vector<2048x1xi32>
    %eq3A_11 = vector.broadcast %broadcast_in_dim3A_10 : vector<2048x1xi32> to vector<2048x8xi32>
    %eq3A_12 = arith.cmpi eq, %iota3A, %eq3A_11 : vector<2048x8xi32>
    %convert_element_type3A = arith.extui %eq3A_12 : vector<2048x8xi1> to vector<2048x8xi32>
    %convert_element_type3A_13 = arith.sitofp %convert_element_type3A : vector<2048x8xi32> to vector<2048x8xf32>
    %eq3A_14 = vector.broadcast %broadcast_in_dim3A_10 : vector<2048x1xi32> to vector<2048x8xi32>
    %eq3A_15 = arith.cmpi eq, %iota3A, %eq3A_14 : vector<2048x8xi32>
    %jit3A_16 = arith.constant 0xFF800000 : f32
    %broadcast_in_dim3A_17 = vector.broadcast %jit3A_16 : f32 to vector<2048x8xf32>
    %select_n3A_18 = arith.select %eq3A_15, %broadcast_in_dim3A_17, %dot_general3A_5 : vector<2048x8xi1>, vector<2048x8xf32>
    %reduce_max3A_19 = arith.constant dense<0xFF800000> : vector<2048xf32>
    %reduce_max3A_20 = vector.multi_reduction <maximumf>, %select_n3A_18, %reduce_max3A_19 [1] : vector<2048x8xf32> to vector<2048xf32>
    %broadcast_in_dim3A_21 = vector.shape_cast %reduce_max3A_20 : vector<2048xf32> to vector<2048x1xf32>
    %eq3A_22 = vector.broadcast %broadcast_in_dim3A_21 : vector<2048x1xf32> to vector<2048x8xf32>
    %eq3A_23 = arith.cmpf oeq, %select_n3A_18, %eq3A_22 : vector<2048x8xf32>
    %jit3A_24 = arith.constant 8 : i32
    %broadcast_in_dim3A_25 = vector.broadcast %jit3A_24 : i32 to vector<2048x8xi32>
    %select_n3A_26 = arith.select %eq3A_23, %iota3A, %broadcast_in_dim3A_25 : vector<2048x8xi1>, vector<2048x8xi32>
    %reduce_min3A_27 = arith.constant dense<2147483647> : vector<2048xi32>
    %reduce_min3A_28 = vector.multi_reduction <minsi>, %select_n3A_26, %reduce_min3A_27 [1] : vector<2048x8xi32> to vector<2048xi32>
    %broadcast_in_dim3A_29 = vector.shape_cast %reduce_min3A_28 : vector<2048xi32> to vector<2048x1xi32>
    %eq3A_30 = vector.broadcast %broadcast_in_dim3A_29 : vector<2048x1xi32> to vector<2048x8xi32>
    %eq3A_31 = arith.cmpi eq, %iota3A, %eq3A_30 : vector<2048x8xi32>
    %convert_element_type3A_32 = arith.extui %eq3A_31 : vector<2048x8xi1> to vector<2048x8xi32>
    %convert_element_type3A_33 = arith.sitofp %convert_element_type3A_32 : vector<2048x8xi32> to vector<2048x8xf32>
    %sub3A = arith.subf %broadcast_in_dim3A_21, %broadcast_in_dim3A : vector<2048x1xf32>
    %exp3A = math.exp %sub3A : vector<2048x1xf32>
    %add3A = arith.constant 1.000000e+00 : f32
    %add3A_34 = vector.broadcast %add3A : f32 to vector<2048x1xf32>
    %add3A_35 = arith.addf %add3A_34, %exp3A : vector<2048x1xf32>
    %div3A = arith.constant 1.000000e+00 : f32
    %div3A_36 = vector.broadcast %div3A : f32 to vector<2048x1xf32>
    %div3A_37 = arith.divf %div3A_36, %add3A_35 : vector<2048x1xf32>
    %sub3A_38 = arith.constant 1.000000e+00 : f32
    %sub3A_39 = vector.broadcast %sub3A_38 : f32 to vector<2048x1xf32>
    %sub3A_40 = arith.subf %sub3A_39, %div3A_37 : vector<2048x1xf32>
    %iota3A_41 = tpu.iota {dimensions = array<i32: 0>} : vector<512x512xi32>
    %iota3A_42 = tpu.iota {dimensions = array<i32: 1>} : vector<512x512xi32>
    %lt3A = arith.cmpi slt, %iota3A_42, %iota3A_41 : vector<512x512xi32>
    %convert_element_type3A_43 = arith.extui %lt3A : vector<512x512xi1> to vector<512x512xi32>
    %convert_element_type3A_44 = arith.sitofp %convert_element_type3A_43 : vector<512x512xi32> to vector<512x512xf32>
    %convert_element_type3A_45 = arith.truncf %convert_element_type3A_44 : vector<512x512xf32> to vector<512x512xbf16>
    %broadcast_in_dim3A_46 = arith.constant 0.000000e+00 : f32
    %broadcast_in_dim3A_47 = vector.broadcast %broadcast_in_dim3A_46 : f32 to vector<1x8xf32>
    %slice3A = vector.extract_strided_slice %convert_element_type3A_13 {offsets = [0, 0], sizes = [512, 8], strides = [1, 1]} : vector<2048x8xf32> to vector<512x8xf32>
    %convert_element_type3A_48 = arith.truncf %slice3A : vector<512x8xf32> to vector<512x8xbf16>
    %dot_general3A_49 = arith.constant dense<0.000000e+00> : vector<512x8xf32>
    %dot_general3A_50 = tpu.matmul %convert_element_type3A_45, %convert_element_type3A_48, %dot_general3A_49 {dimension_numbers = #tpu.dot_dimension_numbers<[1], [0], [0], [1], [0, 0, 1, 1], [], []>, transpose_lhs_hint = false} : vector<512x512xbf16>, vector<512x8xbf16>, vector<512x8xf32> -> vector<512x8xf32>
    %add3A_51 = vector.broadcast %broadcast_in_dim3A_47 : vector<1x8xf32> to vector<512x8xf32>
    %add3A_52 = arith.addf %dot_general3A_50, %add3A_51 : vector<512x8xf32>
    %reduce_sum3A = arith.constant dense<0.000000e+00> : vector<8xf32>
    %reduce_sum3A_53 = vector.multi_reduction <add>, %slice3A, %reduce_sum3A [0] : vector<512x8xf32> to vector<8xf32>
    %broadcast_in_dim3A_54 = vector.shape_cast %reduce_sum3A_53 : vector<8xf32> to vector<1x8xf32>
    %add3A_55 = arith.addf %broadcast_in_dim3A_47, %broadcast_in_dim3A_54 : vector<1x8xf32>
    %slice3A_56 = vector.extract_strided_slice %convert_element_type3A_13 {offsets = [512, 0], sizes = [512, 8], strides = [1, 1]} : vector<2048x8xf32> to vector<512x8xf32>
    %convert_element_type3A_57 = arith.truncf %slice3A_56 : vector<512x8xf32> to vector<512x8xbf16>
    %dot_general3A_58 = arith.constant dense<0.000000e+00> : vector<512x8xf32>
    %dot_general3A_59 = tpu.matmul %convert_element_type3A_45, %convert_element_type3A_57, %dot_general3A_58 {dimension_numbers = #tpu.dot_dimension_numbers<[1], [0], [0], [1], [0, 0, 1, 1], [], []>, transpose_lhs_hint = false} : vector<512x512xbf16>, vector<512x8xbf16>, vector<512x8xf32> -> vector<512x8xf32>
    %add3A_60 = vector.broadcast %add3A_55 : vector<1x8xf32> to vector<512x8xf32>
    %add3A_61 = arith.addf %dot_general3A_59, %add3A_60 : vector<512x8xf32>
    %reduce_sum3A_62 = arith.constant dense<0.000000e+00> : vector<8xf32>
    %reduce_sum3A_63 = vector.multi_reduction <add>, %slice3A_56, %reduce_sum3A_62 [0] : vector<512x8xf32> to vector<8xf32>
    %broadcast_in_dim3A_64 = vector.shape_cast %reduce_sum3A_63 : vector<8xf32> to vector<1x8xf32>
    %add3A_65 = arith.addf %add3A_55, %broadcast_in_dim3A_64 : vector<1x8xf32>
    %slice3A_66 = vector.extract_strided_slice %convert_element_type3A_13 {offsets = [1024, 0], sizes = [512, 8], strides = [1, 1]} : vector<2048x8xf32> to vector<512x8xf32>
    %convert_element_type3A_67 = arith.truncf %slice3A_66 : vector<512x8xf32> to vector<512x8xbf16>
    %dot_general3A_68 = arith.constant dense<0.000000e+00> : vector<512x8xf32>
    %dot_general3A_69 = tpu.matmul %convert_element_type3A_45, %convert_element_type3A_67, %dot_general3A_68 {dimension_numbers = #tpu.dot_dimension_numbers<[1], [0], [0], [1], [0, 0, 1, 1], [], []>, transpose_lhs_hint = false} : vector<512x512xbf16>, vector<512x8xbf16>, vector<512x8xf32> -> vector<512x8xf32>
    %add3A_70 = vector.broadcast %add3A_65 : vector<1x8xf32> to vector<512x8xf32>
    %add3A_71 = arith.addf %dot_general3A_69, %add3A_70 : vector<512x8xf32>
    %reduce_sum3A_72 = arith.constant dense<0.000000e+00> : vector<8xf32>
    %reduce_sum3A_73 = vector.multi_reduction <add>, %slice3A_66, %reduce_sum3A_72 [0] : vector<512x8xf32> to vector<8xf32>
    %broadcast_in_dim3A_74 = vector.shape_cast %reduce_sum3A_73 : vector<8xf32> to vector<1x8xf32>
    %add3A_75 = arith.addf %add3A_65, %broadcast_in_dim3A_74 : vector<1x8xf32>
    %slice3A_76 = vector.extract_strided_slice %convert_element_type3A_13 {offsets = [1536, 0], sizes = [512, 8], strides = [1, 1]} : vector<2048x8xf32> to vector<512x8xf32>
    %convert_element_type3A_77 = arith.truncf %slice3A_76 : vector<512x8xf32> to vector<512x8xbf16>
    %dot_general3A_78 = arith.constant dense<0.000000e+00> : vector<512x8xf32>
    %dot_general3A_79 = tpu.matmul %convert_element_type3A_45, %convert_element_type3A_77, %dot_general3A_78 {dimension_numbers = #tpu.dot_dimension_numbers<[1], [0], [0], [1], [0, 0, 1, 1], [], []>, transpose_lhs_hint = false} : vector<512x512xbf16>, vector<512x8xbf16>, vector<512x8xf32> -> vector<512x8xf32>
    %add3A_80 = vector.broadcast %add3A_75 : vector<1x8xf32> to vector<512x8xf32>
    %add3A_81 = arith.addf %dot_general3A_79, %add3A_80 : vector<512x8xf32>
    %reduce_sum3A_82 = arith.constant dense<0.000000e+00> : vector<8xf32>
    %reduce_sum3A_83 = vector.multi_reduction <add>, %slice3A_76, %reduce_sum3A_82 [0] : vector<512x8xf32> to vector<8xf32>
    %broadcast_in_dim3A_84 = vector.shape_cast %reduce_sum3A_83 : vector<8xf32> to vector<1x8xf32>
    %add3A_85 = arith.addf %add3A_75, %broadcast_in_dim3A_84 : vector<1x8xf32>
    %concatenate3A = tpu.concatenate %add3A_52, %add3A_61, %add3A_71, %add3A_81 in 0 : vector<512x8xf32>, vector<512x8xf32>, vector<512x8xf32>, vector<512x8xf32> -> vector<2048x8xf32>
    %broadcast_in_dim3A_86 = arith.constant 0.000000e+00 : f32
    %broadcast_in_dim3A_87 = vector.broadcast %broadcast_in_dim3A_86 : f32 to vector<1x8xf32>
    %slice3A_88 = vector.extract_strided_slice %convert_element_type3A_33 {offsets = [0, 0], sizes = [512, 8], strides = [1, 1]} : vector<2048x8xf32> to vector<512x8xf32>
    %convert_element_type3A_89 = arith.truncf %slice3A_88 : vector<512x8xf32> to vector<512x8xbf16>
    %dot_general3A_90 = arith.constant dense<0.000000e+00> : vector<512x8xf32>
    %dot_general3A_91 = tpu.matmul %convert_element_type3A_45, %convert_element_type3A_89, %dot_general3A_90 {dimension_numbers = #tpu.dot_dimension_numbers<[1], [0], [0], [1], [0, 0, 1, 1], [], []>, transpose_lhs_hint = false} : vector<512x512xbf16>, vector<512x8xbf16>, vector<512x8xf32> -> vector<512x8xf32>
    %add3A_92 = vector.broadcast %broadcast_in_dim3A_87 : vector<1x8xf32> to vector<512x8xf32>
    %add3A_93 = arith.addf %dot_general3A_91, %add3A_92 : vector<512x8xf32>
    %reduce_sum3A_94 = arith.constant dense<0.000000e+00> : vector<8xf32>
    %reduce_sum3A_95 = vector.multi_reduction <add>, %slice3A_88, %reduce_sum3A_94 [0] : vector<512x8xf32> to vector<8xf32>
    %broadcast_in_dim3A_96 = vector.shape_cast %reduce_sum3A_95 : vector<8xf32> to vector<1x8xf32>
    %add3A_97 = arith.addf %broadcast_in_dim3A_87, %broadcast_in_dim3A_96 : vector<1x8xf32>
    %slice3A_98 = vector.extract_strided_slice %convert_element_type3A_33 {offsets = [512, 0], sizes = [512, 8], strides = [1, 1]} : vector<2048x8xf32> to vector<512x8xf32>
    %convert_element_type3A_99 = arith.truncf %slice3A_98 : vector<512x8xf32> to vector<512x8xbf16>
    %dot_general3A_100 = arith.constant dense<0.000000e+00> : vector<512x8xf32>
    %dot_general3A_101 = tpu.matmul %convert_element_type3A_45, %convert_element_type3A_99, %dot_general3A_100 {dimension_numbers = #tpu.dot_dimension_numbers<[1], [0], [0], [1], [0, 0, 1, 1], [], []>, transpose_lhs_hint = false} : vector<512x512xbf16>, vector<512x8xbf16>, vector<512x8xf32> -> vector<512x8xf32>
    %add3A_102 = vector.broadcast %add3A_97 : vector<1x8xf32> to vector<512x8xf32>
    %add3A_103 = arith.addf %dot_general3A_101, %add3A_102 : vector<512x8xf32>
    %reduce_sum3A_104 = arith.constant dense<0.000000e+00> : vector<8xf32>
    %reduce_sum3A_105 = vector.multi_reduction <add>, %slice3A_98, %reduce_sum3A_104 [0] : vector<512x8xf32> to vector<8xf32>
    %broadcast_in_dim3A_106 = vector.shape_cast %reduce_sum3A_105 : vector<8xf32> to vector<1x8xf32>
    %add3A_107 = arith.addf %add3A_97, %broadcast_in_dim3A_106 : vector<1x8xf32>
    %slice3A_108 = vector.extract_strided_slice %convert_element_type3A_33 {offsets = [1024, 0], sizes = [512, 8], strides = [1, 1]} : vector<2048x8xf32> to vector<512x8xf32>
    %convert_element_type3A_109 = arith.truncf %slice3A_108 : vector<512x8xf32> to vector<512x8xbf16>
    %dot_general3A_110 = arith.constant dense<0.000000e+00> : vector<512x8xf32>
    %dot_general3A_111 = tpu.matmul %convert_element_type3A_45, %convert_element_type3A_109, %dot_general3A_110 {dimension_numbers = #tpu.dot_dimension_numbers<[1], [0], [0], [1], [0, 0, 1, 1], [], []>, transpose_lhs_hint = false} : vector<512x512xbf16>, vector<512x8xbf16>, vector<512x8xf32> -> vector<512x8xf32>
    %add3A_112 = vector.broadcast %add3A_107 : vector<1x8xf32> to vector<512x8xf32>
    %add3A_113 = arith.addf %dot_general3A_111, %add3A_112 : vector<512x8xf32>
    %reduce_sum3A_114 = arith.constant dense<0.000000e+00> : vector<8xf32>
    %reduce_sum3A_115 = vector.multi_reduction <add>, %slice3A_108, %reduce_sum3A_114 [0] : vector<512x8xf32> to vector<8xf32>
    %broadcast_in_dim3A_116 = vector.shape_cast %reduce_sum3A_115 : vector<8xf32> to vector<1x8xf32>
    %add3A_117 = arith.addf %add3A_107, %broadcast_in_dim3A_116 : vector<1x8xf32>
    %slice3A_118 = vector.extract_strided_slice %convert_element_type3A_33 {offsets = [1536, 0], sizes = [512, 8], strides = [1, 1]} : vector<2048x8xf32> to vector<512x8xf32>
    %convert_element_type3A_119 = arith.truncf %slice3A_118 : vector<512x8xf32> to vector<512x8xbf16>
    %dot_general3A_120 = arith.constant dense<0.000000e+00> : vector<512x8xf32>
    %dot_general3A_121 = tpu.matmul %convert_element_type3A_45, %convert_element_type3A_119, %dot_general3A_120 {dimension_numbers = #tpu.dot_dimension_numbers<[1], [0], [0], [1], [0, 0, 1, 1], [], []>, transpose_lhs_hint = false} : vector<512x512xbf16>, vector<512x8xbf16>, vector<512x8xf32> -> vector<512x8xf32>
    %add3A_122 = vector.broadcast %add3A_117 : vector<1x8xf32> to vector<512x8xf32>
    %add3A_123 = arith.addf %dot_general3A_121, %add3A_122 : vector<512x8xf32>
    %reduce_sum3A_124 = arith.constant dense<0.000000e+00> : vector<8xf32>
    %reduce_sum3A_125 = vector.multi_reduction <add>, %slice3A_118, %reduce_sum3A_124 [0] : vector<512x8xf32> to vector<8xf32>
    %broadcast_in_dim3A_126 = vector.shape_cast %reduce_sum3A_125 : vector<8xf32> to vector<1x8xf32>
    %add3A_127 = arith.addf %add3A_117, %broadcast_in_dim3A_126 : vector<1x8xf32>
    %concatenate3A_128 = tpu.concatenate %add3A_93, %add3A_103, %add3A_113, %add3A_123 in 0 : vector<512x8xf32>, vector<512x8xf32>, vector<512x8xf32>, vector<512x8xf32> -> vector<2048x8xf32>
    %add3A_129 = arith.addf %add3A_85, %add3A_127 : vector<1x8xf32>
    %add3A_130 = arith.constant 2.550000e+02 : f32
    %add3A_131 = vector.broadcast %add3A_130 : f32 to vector<1x8xf32>
    %add3A_132 = arith.addf %add3A_129, %add3A_131 : vector<1x8xf32>
    %mul3A = arith.constant 3.906250e-03 : f32
    %mul3A_133 = vector.broadcast %mul3A : f32 to vector<1x8xf32>
    %mul3A_134 = arith.mulf %add3A_132, %mul3A_133 : vector<1x8xf32>
    %floor3A = math.floor %mul3A_134 : vector<1x8xf32>
    %mul3A_135 = arith.constant 2.560000e+02 : f32
    %mul3A_136 = vector.broadcast %mul3A_135 : f32 to vector<1x8xf32>
    %mul3A_137 = arith.mulf %floor3A, %mul3A_136 : vector<1x8xf32>
    %broadcast_in_dim3A_138 = arith.constant 0.000000e+00 : f32
    %broadcast_in_dim3A_139 = vector.broadcast %broadcast_in_dim3A_138 : f32 to vector<1x1xf32>
    %slice3A_140 = vector.extract_strided_slice %mul3A_137 {offsets = [0, 0], sizes = [1, 1], strides = [1, 1]} : vector<1x8xf32> to vector<1x1xf32>
    %add3A_141 = arith.addf %broadcast_in_dim3A_139, %slice3A_140 : vector<1x1xf32>
    %slice3A_142 = vector.extract_strided_slice %mul3A_137 {offsets = [0, 1], sizes = [1, 1], strides = [1, 1]} : vector<1x8xf32> to vector<1x1xf32>
    %add3A_143 = arith.addf %add3A_141, %slice3A_142 : vector<1x1xf32>
    %slice3A_144 = vector.extract_strided_slice %mul3A_137 {offsets = [0, 2], sizes = [1, 1], strides = [1, 1]} : vector<1x8xf32> to vector<1x1xf32>
    %add3A_145 = arith.addf %add3A_143, %slice3A_144 : vector<1x1xf32>
    %slice3A_146 = vector.extract_strided_slice %mul3A_137 {offsets = [0, 3], sizes = [1, 1], strides = [1, 1]} : vector<1x8xf32> to vector<1x1xf32>
    %add3A_147 = arith.addf %add3A_145, %slice3A_146 : vector<1x1xf32>
    %slice3A_148 = vector.extract_strided_slice %mul3A_137 {offsets = [0, 4], sizes = [1, 1], strides = [1, 1]} : vector<1x8xf32> to vector<1x1xf32>
    %add3A_149 = arith.addf %add3A_147, %slice3A_148 : vector<1x1xf32>
    %slice3A_150 = vector.extract_strided_slice %mul3A_137 {offsets = [0, 5], sizes = [1, 1], strides = [1, 1]} : vector<1x8xf32> to vector<1x1xf32>
    %add3A_151 = arith.addf %add3A_149, %slice3A_150 : vector<1x1xf32>
    %slice3A_152 = vector.extract_strided_slice %mul3A_137 {offsets = [0, 6], sizes = [1, 1], strides = [1, 1]} : vector<1x8xf32> to vector<1x1xf32>
    %add3A_153 = arith.addf %add3A_151, %slice3A_152 : vector<1x1xf32>
    %slice3A_154 = vector.extract_strided_slice %mul3A_137 {offsets = [0, 7], sizes = [1, 1], strides = [1, 1]} : vector<1x8xf32> to vector<1x1xf32>
    %add3A_155 = arith.addf %add3A_153, %slice3A_154 : vector<1x1xf32>
    %concatenate3A_156 = tpu.concatenate %broadcast_in_dim3A_139, %add3A_141, %add3A_143, %add3A_145, %add3A_147, %add3A_149, %add3A_151, %add3A_153 in 1 : vector<1x1xf32>, vector<1x1xf32>, vector<1x1xf32>, vector<1x1xf32>, vector<1x1xf32>, vector<1x1xf32>, vector<1x1xf32>, vector<1x1xf32> -> vector<1x8xf32>
    %mul3A_157 = arith.mulf %concatenate3A, %convert_element_type3A_13 : vector<2048x8xf32>
    %reduce_sum3A_158 = arith.constant dense<0.000000e+00> : vector<2048xf32>
    %reduce_sum3A_159 = vector.multi_reduction <add>, %mul3A_157, %reduce_sum3A_158 [1] : vector<2048x8xf32> to vector<2048xf32>
    %broadcast_in_dim3A_160 = vector.shape_cast %reduce_sum3A_159 : vector<2048xf32> to vector<2048x1xf32>
    %add3A_161 = vector.broadcast %add3A_85 : vector<1x8xf32> to vector<2048x8xf32>
    %add3A_162 = arith.addf %add3A_161, %concatenate3A_128 : vector<2048x8xf32>
    %mul3A_163 = arith.mulf %add3A_162, %convert_element_type3A_33 : vector<2048x8xf32>
    %reduce_sum3A_164 = arith.constant dense<0.000000e+00> : vector<2048xf32>
    %reduce_sum3A_165 = vector.multi_reduction <add>, %mul3A_163, %reduce_sum3A_164 [1] : vector<2048x8xf32> to vector<2048xf32>
    %broadcast_in_dim3A_166 = vector.shape_cast %reduce_sum3A_165 : vector<2048xf32> to vector<2048x1xf32>
    %mul3A_167 = vector.broadcast %concatenate3A_156 : vector<1x8xf32> to vector<2048x8xf32>
    %mul3A_168 = arith.mulf %mul3A_167, %convert_element_type3A_13 : vector<2048x8xf32>
    %reduce_sum3A_169 = arith.constant dense<0.000000e+00> : vector<2048xf32>
    %reduce_sum3A_170 = vector.multi_reduction <add>, %mul3A_168, %reduce_sum3A_169 [1] : vector<2048x8xf32> to vector<2048xf32>
    %broadcast_in_dim3A_171 = vector.shape_cast %reduce_sum3A_170 : vector<2048xf32> to vector<2048x1xf32>
    %mul3A_172 = vector.broadcast %concatenate3A_156 : vector<1x8xf32> to vector<2048x8xf32>
    %mul3A_173 = arith.mulf %mul3A_172, %convert_element_type3A_33 : vector<2048x8xf32>
    %reduce_sum3A_174 = arith.constant dense<0.000000e+00> : vector<2048xf32>
    %reduce_sum3A_175 = vector.multi_reduction <add>, %mul3A_173, %reduce_sum3A_174 [1] : vector<2048x8xf32> to vector<2048xf32>
    %broadcast_in_dim3A_176 = vector.shape_cast %reduce_sum3A_175 : vector<2048xf32> to vector<2048x1xf32>
    %add3A_177 = arith.addf %broadcast_in_dim3A_171, %broadcast_in_dim3A_160 : vector<2048x1xf32>
    %add3A_178 = arith.addf %broadcast_in_dim3A_176, %broadcast_in_dim3A_166 : vector<2048x1xf32>
    %concatenate3A_179 = tpu.concatenate %add3A_177, %add3A_178 in 0 : vector<2048x1xf32>, vector<2048x1xf32> -> vector<4096x1xf32>
    %convert_element_type3A_180 = arith.fptosi %concatenate3A_179 : vector<4096x1xf32> to vector<4096x1xi32>
    %reshape3A = vector.shape_cast %convert_element_type3A_180 : vector<4096x1xi32> to vector<4096xi32>
    %swap3A = arith.constant 0 : index
    %swap3A_181 = vector.load %arg2[%swap3A] : memref<4096xi32, #tpu.memory_space<vmem>>, vector<4096xi32>
    tpu.vector_store %arg2[%swap3A], %reshape3A {strides = array<i32>} : memref<4096xi32, #tpu.memory_space<vmem>>, vector<4096xi32>,
    %concatenate3A_182 = tpu.concatenate %div3A_37, %sub3A_40 in 0 : vector<2048x1xf32>, vector<2048x1xf32> -> vector<4096x1xf32>
    %swap3A_183 = arith.constant 0 : index
    %swap3A_184 = arith.constant 0 : index
    %swap3A_185 = vector.load %arg3[%swap3A_183, %swap3A_184] : memref<4096x1xf32, #tpu.memory_space<vmem>>, vector<4096x1xf32>
    tpu.vector_store %arg3[%swap3A_183, %swap3A_184], %concatenate3A_182 {strides = array<i32>} : memref<4096x1xf32, #tpu.memory_space<vmem>>, vector<4096x1xf32>,
    %iota3A_186 = tpu.iota {dimensions = array<i32: 0>} : vector<25x8xi32>
    %mul3A_187 = arith.constant 256 : i32
    %mul3A_188 = vector.broadcast %mul3A_187 : i32 to vector<25x8xi32>
    %mul3A_189 = arith.muli %iota3A_186, %mul3A_188 : vector<25x8xi32>
    %convert_element_type3A_190 = arith.sitofp %mul3A_189 : vector<25x8xi32> to vector<25x8xf32>
    %le3A = vector.broadcast %concatenate3A_156 : vector<1x8xf32> to vector<25x8xf32>
    %le3A_191 = arith.cmpf ole, %le3A, %convert_element_type3A_190 : vector<25x8xf32>
    %convert_element_type3A_192 = arith.extui %le3A_191 : vector<25x8xi1> to vector<25x8xi32>
    %reduce_sum3A_193 = arith.constant dense<0> : vector<25xi32>
    %reduce_sum3A_194 = vector.multi_reduction <add>, %convert_element_type3A_192, %reduce_sum3A_193 [1] : vector<25x8xi32> to vector<25xi32>
    %broadcast_in_dim3A_195 = vector.shape_cast %reduce_sum3A_194 : vector<25xi32> to vector<25x1xi32>
    %sub3A_196 = arith.constant 1 : i32
    %sub3A_197 = vector.broadcast %sub3A_196 : i32 to vector<25x1xi32>
    %sub3A_198 = arith.subi %broadcast_in_dim3A_195, %sub3A_197 : vector<25x1xi32>
    %slice3A_199 = vector.extract_strided_slice %convert_element_type3A_190 {offsets = [0, 0], sizes = [25, 1], strides = [1, 1]} : vector<25x8xf32> to vector<25x1xf32>
    %lt3A_200 = vector.broadcast %add3A_155 : vector<1x1xf32> to vector<25x1xf32>
    %lt3A_201 = arith.cmpf olt, %slice3A_199, %lt3A_200 : vector<25x1xf32>
    %iota3A_202 = tpu.iota {dimensions = array<i32: 1>} : vector<1x8xi32>
    %gt3A = arith.constant 0.000000e+00 : f32
    %gt3A_203 = vector.broadcast %gt3A : f32 to vector<1x8xf32>
    %gt3A_204 = arith.cmpf ogt, %mul3A_137, %gt3A_203 : vector<1x8xf32>
    %jit3A_205 = arith.constant 0 : i32
    %broadcast_in_dim3A_206 = vector.broadcast %jit3A_205 : i32 to vector<1x8xi32>
    %select_n3A_207 = arith.select %gt3A_204, %iota3A_202, %broadcast_in_dim3A_206 : vector<1x8xi1>, vector<1x8xi32>
    %reduce_max3A_208 = arith.constant dense<-2147483648> : vector<1xi32>
    %reduce_max3A_209 = vector.multi_reduction <maxsi>, %select_n3A_207, %reduce_max3A_208 [1] : vector<1x8xi32> to vector<1xi32>
    %broadcast_in_dim3A_210 = vector.shape_cast %reduce_max3A_209 : vector<1xi32> to vector<1x1xi32>
    %mul3A_211 = arith.constant 3.906250e-03 : f32
    %mul3A_212 = vector.broadcast %mul3A_211 : f32 to vector<1x1xf32>
    %mul3A_213 = arith.mulf %add3A_155, %mul3A_212 : vector<1x1xf32>
    %convert_element_type3A_214 = arith.fptosi %mul3A_213 : vector<1x1xf32> to vector<1x1xi32>
    %broadcast_in_dim3A_215 = vector.shape_cast %broadcast_in_dim3A_210 : vector<1x1xi32> to vector<1x1xi32>
    %broadcast_in_dim3A_216 = vector.broadcast %broadcast_in_dim3A_215 : vector<1x1xi32> to vector<25x1xi32>
    %select_n3A_217 = arith.select %lt3A_201, %sub3A_198, %broadcast_in_dim3A_216 : vector<25x1xi1>, vector<25x1xi32>
    %iota3A_218 = tpu.iota {dimensions = array<i32: 0>} : vector<25x1xi32>
    %eq3A_219 = arith.constant 24 : i32
    %eq3A_220 = vector.broadcast %eq3A_219 : i32 to vector<25x1xi32>
    %eq3A_221 = arith.cmpi eq, %iota3A_218, %eq3A_220 : vector<25x1xi32>
    %broadcast_in_dim3A_222 = vector.shape_cast %convert_element_type3A_214 : vector<1x1xi32> to vector<1x1xi32>
    %broadcast_in_dim3A_223 = vector.broadcast %broadcast_in_dim3A_222 : vector<1x1xi32> to vector<25x1xi32>
    %select_n3A_224 = arith.select %eq3A_221, %broadcast_in_dim3A_223, %select_n3A_217 : vector<25x1xi1>, vector<25x1xi32>
    %reshape3A_225 = vector.shape_cast %select_n3A_224 : vector<25x1xi32> to vector<25xi32>
    %swap3A_226 = arith.constant 0 : index
    %swap3A_227 = vector.load %arg4[%swap3A_226] : memref<25xi32, #tpu.memory_space<vmem>>, vector<25xi32>
    tpu.vector_store %arg4[%swap3A_226], %reshape3A_225 {strides = array<i32>} : memref<25xi32, #tpu.memory_space<vmem>>, vector<25xi32>,
    return
  }
}

</mosaic_0001>

<sc_bundles>
// kernel: kernel.10.cloned.1.call-start
scs
__scs_entry_jumppad:
0x0: {  	(pc) =	sbr.rel $0x88, $3  }
0x1: {  	(tag) =	ssettag $0x0;
	lr =	simm.s32 $0x1  }
0x2: {  	[smem:$0x3F9C] =	sst lr;
	_ =	strace $0xD0000000  }
0x3: {  	_ = 	snop  }
0x4: {  	_ = 	snop  }
0x5: {  	_ = 	snop  }
0x6: {  	_ = 	snop  }
0x7: {  	_ = 	snop  }
__scs_overlays_trampoline_lowered:
0x8: {  	[smem:$0x3FAB] =	sst s0  }
0x9: {  	[smem:$0x3FAC] =	sst s1  }
0xa: {  	[smem:$0x3FAD] =	sst s2  }
0xb: {  	[smem:$0x3FAE] =	sst s3  }
0xc: {  	[smem:$0x3FAF] =	sst s4  }
0xd: {  	[smem:$0x3FB0] =	sst s5  }
0xe: {  	[smem:$0x3FB1] =	sst s6  }
0xf: {  	[smem:$0x3FB2] =	sst s7  }
0x10: {  	[smem:$0x3FB3] =	sst s8  }
0x11: {  	[smem:$0x3FB4] =	sst s9;
	s0 =	simm.s32 @!p0 $0x0  }
0x12: {  	s1 =	sld [smem:$0x3F9A];
	s0 =	simm.s32 @p0 $0x1  }
0x13: {  	[smem:$0x3FB5] =	sst s0;
	s0 =	simm.s32 @!p1 $0x0  }
0x14: {  	s2 =	sld [smem:$0x3F99];
	s0 =	simm.s32 @p1 $0x1  }
0x15: {  	[smem:$0x3FB6] =	sst s0;
	s0 =	simm.s32 @!p2 $0x0  }
0x16: {  	s3 =	sld [smem:$0x3FDB];
	s0 =	simm.s32 @p2 $0x1  }
0x17: {  	s4 =	simm.s32 $0x1BF5;
	[smem:$0x3FB8] =	sst s0  }
0x18: {  	s0 =	sld [smem:$0x3F9B];
	_ =	swait.ge [sflag:s4], $0x0  }
0x19: {  	s7 =	sld [smem:$0x3F9C]  }
0x1a: {  	s8 =	sadd.s32 $0xFFFFE003, lr  }
0x1b: {  	s9 =	sadd.s32 $0xFFFFFEF7, lr;
	s5 =	simm.s32 $0xFFFFFFFF;
	p2 =	slt.u32 s8, $0xFFFFF086  }
0x1c: {  	p1 =	slt.u32 s9, $0xF7A;
	s5 =	simm.s32 @!p2 $0x0  }
0x1d: {  	s5 =	simm.s32 @p1 $0x1;
	p0 =	seq.s32 s7, s2  }
0x1e: {  	s7 =	smul.u32 @!p0 $0xF7A, s2;
	p2 =	seq.s32 @!p0 s5, $0x0  }
0x1f: {  	s9 =	smul.u32 $0xF7A, s1;
	s8 =	simm.s32 @!p0 $0x1BF5;
	p2 =	por !p2, p0  }
0x20: {  	[sflag:s8] =	ssyncset.s32 @!p0 $0xFFFFF086;
	s6 =	sadd.s32 @!p0 s3, s7;
	s7 =	simm.s32 @!p0 $0x108  }
0x21: {  	s3 =	sadd.s32 s3, s9;
	s6 =	sadd.s32 @!p0 $0x88, s6;
	s7 =	simm.s32 @p2 $0x1082  }
0x22: {  	[simem:s7], [sflag:s8] =	dma.local @!p0 [hbm:s6], $0xF7A  }
0x23: {  	s9 =	sor.u32 $0xD0000000, s2;
	s6 =	simm.s32 $0x108;
	_ =	swait.ge @!p0 [sflag:s8], $0x0  }
0x24: {  	s3 =	sadd.s32 $0x88, s3;
	s6 =	simm.s32 @!p1 $0x1082;
	[sflag:s4] =	ssyncset.s32 $0xFFFFF086  }
0x25: {  	[simem:s6], [sflag:s4] =	dma.local [hbm:s3], $0xF7A  }
0x26: {  	[smem:$0x3F9C] =	sst s1;
	(tag) =	ssettag s2;
	_ =	strace s9  }
0x27: {  	s1 =	sld [smem:$0x3FAC]  }
0x28: {  	s2 =	sld [smem:$0x3FAD]  }
0x29: {  	s4 =	sld [smem:$0x3FAF]  }
0x2a: {  	p0 =	seq.s32 s5, $0x0;
	s5 =	sld [smem:$0x3FB0]  }
0x2b: {  	s6 =	sld [smem:$0x3FB1]  }
0x2c: {  	s7 =	sld [smem:$0x3FB2]  }
0x2d: {  	s3 =	simm.s32 $0x108;
	s8 =	sld [smem:$0x3FB3]  }
0x2e: {  	s3 =	simm.s32 @!p0 $0x1082;
	s9 =	sld [smem:$0x3FB4]  }
0x2f: {  	lr =	sadd.s32 s0, s3;
	s0 =	sld [smem:$0x3FAB]  }
0x30: {  	s3 =	sld [smem:$0x3FAE]  }
0x31: {  	[smem:$0x3FB7] =	sst s10  }
0x32: {  	s10 =	sld [smem:$0x3FB5];
	_ =	sdelay $0x3  }
0x33: {  	p0 =	seq.s32 s10, $0x1;
	s10 =	sld [smem:$0x3FB7];
	_ =	sdelay $0x3  }
0x34: {  	[smem:$0x3FB7] =	sst s10  }
0x35: {  	s10 =	sld [smem:$0x3FB6];
	_ =	sdelay $0x3  }
0x36: {  	p1 =	seq.s32 s10, $0x1;
	s10 =	sld [smem:$0x3FB7];
	_ =	sdelay $0x3  }
0x37: {  	[smem:$0x3FB7] =	sst s10  }
0x38: {  	s10 =	sld [smem:$0x3FB8]  }
0x39: {  	_ = 	snop;
	(pc) =	sbr.ind lr, $3  }
0x3a: {  	_ = 	snop  }
0x3b: {  	_ = 	snop  }
0x3c: {  	p2 =	seq.s32 s10, $0x1;
	s10 =	sld [smem:$0x3FB7]  }
0x3d: {  	_ =	shalt  }
0x3e: {  	_ =	shalt  }
0x3f: {  	_ =	shalt  }
0x40: {  	_ =	shalt  }
0x41: {  	_ =	shalt  }
0x42: {  	_ =	shalt  }
0x43: {  	_ =	shalt  }
0x44: {  	_ =	shalt  }
0x45: {  	_ =	shalt  }
0x46: {  	_ =	shalt  }
0x47: {  	_ =	shalt  }
0x48: {  	_ =	shalt  }
0x49: {  	_ =	shalt  }
0x4a: {  	_ =	shalt  }
0x4b: {  	_ =	shalt  }
0x4c: {  	_ =	shalt  }
0x4d: {  	_ =	shalt  }
0x4e: {  	_ =	shalt  }
0x4f: {  	_ =	shalt  }
0x50: {  	_ =	shalt  }
0x51: {  	_ =	shalt  }
0x52: {  	_ =	shalt  }
0x53: {  	_ =	shalt  }
0x54: {  	_ =	shalt  }
0x55: {  	_ =	shalt  }
0x56: {  	_ =	shalt  }
0x57: {  	_ =	shalt  }
0x58: {  	_ =	shalt  }
0x59: {  	_ =	shalt  }
0x5a: {  	_ =	shalt  }
0x5b: {  	_ =	shalt  }
0x5c: {  	_ =	shalt  }
0x5d: {  	_ =	shalt  }
0x5e: {  	_ =	shalt  }
0x5f: {  	_ =	shalt  }
0x60: {  	_ =	shalt  }
0x61: {  	_ =	shalt  }
0x62: {  	_ =	shalt  }
0x63: {  	_ =	shalt  }
0x64: {  	_ =	shalt  }
0x65: {  	_ =	shalt  }
0x66: {  	_ =	shalt  }
0x67: {  	_ =	shalt  }
0x68: {  	_ =	shalt  }
0x69: {  	_ =	shalt  }
0x6a: {  	_ =	shalt  }
0x6b: {  	_ =	shalt  }
0x6c: {  	_ =	shalt  }
0x6d: {  	_ =	shalt  }
0x6e: {  	_ =	shalt  }
0x6f: {  	_ =	shalt  }
0x70: {  	_ =	shalt  }
0x71: {  	_ =	shalt  }
0x72: {  	_ =	shalt  }
0x73: {  	_ =	shalt  }
0x74: {  	_ =	shalt  }
0x75: {  	_ =	shalt  }
0x76: {  	_ =	shalt  }
0x77: {  	_ =	shalt  }
0x78: {  	_ =	shalt  }
0x79: {  	_ =	shalt  }
0x7a: {  	_ =	shalt  }
0x7b: {  	_ =	shalt  }
0x7c: {  	_ =	shalt  }
0x7d: {  	_ =	shalt  }
0x7e: {  	_ =	shalt  }
0x7f: {  	_ =	shalt  }
0x80: {  	_ =	shalt  }
0x81: {  	_ =	shalt  }
0x82: {  	_ =	shalt  }
0x83: {  	_ =	shalt  }
0x84: {  	_ =	shalt  }
0x85: {  	_ =	shalt  }
0x86: {  	_ =	shalt  }
0x87: {  	_ =	shalt  }
.Lfunc_end0:
.L_simem_size_0:
called_computation.1_lowered:
.L_overlay_start_0:
0x88: {  	s2 =	sld [smem:$0x3FD9]  }
0x89: {  	s3 =	sld [smem:$0x3FFE];
	_ =	sdelay $0x1  }
0x8a: {  	s1 =	srdreg.scid  }
0x8b: {  	s0 =	sand.u32 $0x1, s1  }
0x8c: {  	s17 =	sshll.u32 s0, $0xA;
	s2 =	sadd.s32 s3, s2  }
0x8d: {  	s2 =	sadd.s32 s2, s17  }
0x8e: {  	[smem:$0x3FC3] =	sst s2  }
0x8f: {  	_ = 	snop  }
0x90: {  	s2 =	sld [smem:$0x3FD0];
	(tm) =	ssettm $0x1  }
0x91: {  	s18 =	sld [smem:$0x3FFB];
	_ =	sdelay $0x3  }
0x92: {  	_ =	strace s18  }
0x93: {  	s3 =	sld [smem:$0x3FFC];
	_ =	sdelay $0x3  }
0x94: {  	_ =	strace s3  }
0x95: {  	s3 =	sld [smem:$0x3FFD];
	_ =	sdelay $0x3  }
0x96: {  	_ =	strace s3  }
0x97: {  	_ =	strace $0x8FFFFFFF  }
0x98: {  	s19 =	sld [smem:$0x3FDB];
	_ =	sdelay $0x1  }
0x99: {  	s4 =	simm.s32 $_scs_section_size  }
0x9a: {  	s5 =	simm.s32 $_size__tile_overlayer_lowered;
	s6 =	simm.s32 $_tile_overlayer_lowered  }
0x9b: {  	s22 =	simm.s32 $0x1BFF;
	s21 =	sshll.u32 s6, $0x1;
	s3 =	sadd.s32 s4, s19  }
0x9c: {  	s7 =	simm.s32 $0x0;
	s20 =	sshll.u32 s5, $0x1;
	s5 =	sadd.s32 s21, s3  }
0x9d: {  	[timem:s7], [sflag:s22] =	dma.local [hbm:s5], s20  }
0x9e: {  	_ =	swait.ge [sflag:s22], s20  }
0x9f: {  	s4 =	ssub.s32 $0x0, s20;
	[sflag:s22] =	ssyncset.done $0x0  }
0xa0: {  	[sflag:s22] =	ssyncadd.s32 s4;
	_ =	sdelay $0x1  }
0xa1: {  	s23 =	simm.s32 $0x1B8B  }
0xa2: {  	_ =	swait.ge [sflag:s23], $0x1  }
0xa3: {  	[sflag:s23] =	ssyncset.done $0x0  }
0xa4: {  	s25 =	simm.s32 $0x1B8E;
	s24 =	sld [smem:$0x3FFE];
	[sflag:s23] =	ssyncadd.s32 $0xFFFFFFFF  }
0xa5: {  	s26 =	simm.s32 $execute0_lowered;
	[smem:$0x3FD2] =	sst s25  }
0xa6: {  	s5 =	sshll.u32 s26, $0x1;
	_ =	strace $0x80000049;
	[dreg:$0x1] =	wrdreg $0xFFFFFFFF  }
0xa7: {  	s28 =	simm.s32 $_size_execute0_lowered;
	s3 =	sadd.s32 s3, s5;
	[dreg:$0x0] =	wrdreg $0x0  }
0xa8: {  	s5 =	sshll.u32 s28, $0x1;
	[dreg:$0x2] =	wrdreg s3  }
0xa9: {  	[dreg:$0x3] =	wrdreg s5  }
0xaa: {  	[dreg:$0x4] =	wrdreg $0xC0  }
0xab: {  	_ =	task [dreg:s7], $0x5FFFF  }
0xac: {  	[dreg:$0x1] =	wrdreg $0xFFFFFFFF  }
0xad: {  	[dreg:$0x0] =	wrdreg $0x60  }
0xae: {  	[dreg:$0x2] =	wrdreg s2  }
0xaf: {  	[dreg:$0x3] =	wrdreg s24  }
0xb0: {  	[dreg:$0x4] =	wrdreg $0x9  }
0xb1: {  	_ =	task.clear_ibuf [dreg:s7], $0x5FFFF;
	_ =	strace $0x90000049  }
0xb2: {  	s29 =	simm.s32 $0x9;
	_ =	strace $0x8000004B  }
0xb3: {  	_ =	swait.ge [sflag:s29], $0x1  }
0xb4: {  	[sflag:s29] =	ssyncadd.s32 $0xFFFFFFFF  }
0xb5: {  	_ =	strace $0x9000004B  }
0xb6: {  	_ =	sfence  }
0xb7: {  	s30 =	sld [smem:$0x0];
	_ =	sdelay $0x2  }
0xb8: {  	s31 =	sshll.u32 s1, $0xD;
	s1 =	sshrl.u32 s1, $0x2  }
0xb9: {  	s3 =	sand.u32 $0x4000, s31;
	s1 =	sadd.s32 s1, s30  }
0xba: {  	s0 =	sor.u32 s3, s0;
	s1 =	sshll.u32 s1, $0x11  }
0xbb: {  	s0 =	sor.u32 s1, s0  }
0xbc: {  	s0 =	sadd.s32 $0x8F2B, s0  }
0xbd: {  	[sflag:s0] =	ssyncadd.remote.s32 $0x1  }
0xbe: {  	_ =	sfence.sel $0xFFFF  }
0xbf: {  	[dreg:$0x0] =	wrdreg $0xFFFFFFFF;
	(pc) =	sbr.abs _section_cstart, $3  }
0xc0: {  	[dreg:$0x1] =	wrdreg $0xFFFFFFFF  }
0xc1: {  	_ =	task.clear_ibuf [dreg:s7], $0x2FFFF;
	_ =	strace $0x9FFFFFFF  }
0xc2: {  	(tm) =	ssettm $0x7FFFFFFF  }
0xc3: {  	_ =	shalt  }
tec
execute0_lowered:
.L_overlay_start_1:
0x0: {  	(tag) =	ssettag $0x1  }
0x1: {  	s0 =	rddreg [dreg:$0x0]  }
0x2: {  	s1 =	rddreg [dreg:$0x1];
	s3 =	srdreg.scid  }
0x3: {  	s2 =	simm.s32 $0x0;
	s5 =	stileid.u32;
	s24 =	simm.s32 $0x80  }
0x4: {  	s25 =	simm.s32 $0x100;
	s28 =	simm.s32 $0x2200;
	s29 =	simm.s32 $0x2A00  }
0x5: {  	s30 =	simm.s32 $0x3200;
	s31 =	simm.s32 $0x3A00;
	s4 =	sand.u32 $0x1, s3  }
0x6: {  	[smem:$0x7FF] =	sst s2;
	s5 =	sshll.u32 s5, $0x8;
	s3 =	sadd.s32 $0xC2200, s1  }
0x7: {  	s26 =	sadd.s32 $0x2200, s1;
	_ =	strace $0x8000004A;
	[dreg:$0xb] =	wrdreg s24  }
0x8: {  	s6 =	sshll.u32 s4, $0x7;
	s4 =	ssub.s32 $0x2, s4;
	[dreg:$0xc] =	wrdreg s25  }
0x9: {  	s25 =	simm.s32 $0x200;
	s24 =	simm.s32 $0x1200;
	s5 =	sor.u32 s6, s5  }
0xa: {  	s8 =	sshrl.u32 s4, $0x1;
	s6 =	sadd.s32 $0xC2500, s1;
	s7 =	sshrl.u32 s5, $0x3  }
0xb: {  	s9 =	sor.u32 $0x20, s5;
	s10 =	sor.u32 $0x40, s5;
	s12 =	sor.u32 $0x60, s5  }
0xc: {  	s5 =	sshll.u32 s5, $0x7;
	s22 =	ssub.s32 s4, s8;
	s4 =	sadd.s32 $0xC2300, s1  }
0xd: {  	s8 =	simm.s32 $0x5;
	s7 =	sadd.s32 s0, s7;
	s13 =	sshrl.u32 s9, $0x3  }
0xe: {  	s11 =	sshrl.u32 s10, $0x3;
	s15 =	sshrl.u32 s12, $0x3;
	s16 =	sadd.s32 s26, s5  }
0xf: {  	s17 =	sshll.u32 s9, $0x7;
	s19 =	sshll.u32 s10, $0x7;
	s21 =	sshll.u32 s12, $0x7  }
0x10: {  	s5 =	sadd.s32 $0xC2400, s1;
	s12 =	simm.s32 $0x6200;
	[dreg:$0x3] =	wrdreg s7  }
0x11: {  	s1 =	simm.s32 $0x3;
	s7 =	sadd.s32 s0, s13;
	[dreg:$0x7] =	wrdreg s16  }
0x12: {  	s14 =	sadd.s32 s0, s11;
	s0 =	sadd.s32 s0, s15;
	[dreg:$0x4] =	wrdreg s7  }
0x13: {  	s18 =	sadd.s32 s26, s17;
	s20 =	sadd.s32 s26, s19;
	[dreg:$0x5] =	wrdreg s14  }
0x14: {  	s23 =	sadd.s32 s26, s21;
	s26 =	simm.s32 $0x180;
	[dreg:$0x6] =	wrdreg s0  }
0x15: {  	s16 =	simm.s32 $0x4A00;
	s13 =	simm.s32 $0x6A00;
	[dreg:$0x8] =	wrdreg s18  }
0x16: {  	s15 =	simm.s32 $0x7A00;
	s17 =	simm.s32 $0x9200;
	[dreg:$0x9] =	wrdreg s20  }
0x17: {  	v2 =	vlaneseq.u32;
	s19 =	simm.s32 $0xA200;
	s21 =	simm.s32 $0xB200;
	[dreg:$0xa] =	wrdreg s23  }
0x18: {  	vm0 =	vmmov $0xffff;
	v1 =	vshrl.u32 v2, $0x3;
	s7 =	smax.u32 s22, $0x1;
	[dreg:$0xd] =	wrdreg s26;
	s26 =	simm.s32 $0x1A00  }
0x19: {  	v0 =	vand.u32 $0x7, v2;
	v2 =	vor.u32 $0x8, v2;
	v1 =	vmul.u32 $0x8, v1;
	s14 =	simm.s32 $0x7200;
	s18 =	simm.s32 $0x8200;
	s20 =	simm.s32 $0xAA00  }
.LBB2_1:
0x1a: {  	s22 =	rddreg [dreg:$0x3]  }
0x1b: {  	[tilespmem:s2], [sflag:$0x5] =	stream.linear.gather [hbm4b:s22+s2], $0x20, $0x38;
	[tilespmem:$0x10200] =	vst v63  }
0x1c: {  	_ =	swait.ge [sflag:s8], $0x20  }
0x1d: {  	s11 =	rddreg [dreg:$0x4];
	[sflag:s8] =	ssyncset.done $0x0  }
0x1e: {  	s23 =	rddreg [dreg:$0xb];
	[sflag:s8] =	ssyncadd.s32 $0xFFFFFFE0  }
0x1f: {  	[tilespmem:s23], [sflag:$0x5] =	stream.linear.gather [hbm4b:s11+s2], $0x20, $0x38;
	[tilespmem:$0x10200] =	vst v63  }
0x20: {  	_ =	swait.ge [sflag:s8], $0x20  }
0x21: {  	s0 =	rddreg [dreg:$0x5];
	[sflag:s8] =	ssyncset.done $0x0  }
0x22: {  	s9 =	rddreg [dreg:$0xc];
	[sflag:s8] =	ssyncadd.s32 $0xFFFFFFE0  }
0x23: {  	[tilespmem:s9], [sflag:$0x5] =	stream.linear.gather [hbm4b:s0+s2], $0x20, $0x38;
	[tilespmem:$0x10200] =	vst v63  }
0x24: {  	_ =	swait.ge [sflag:s8], $0x20  }
0x25: {  	s10 =	rddreg [dreg:$0x6];
	[sflag:s8] =	ssyncset.done $0x0  }
0x26: {  	s11 =	rddreg [dreg:$0xd];
	[sflag:s8] =	ssyncadd.s32 $0xFFFFFFE0  }
0x27: {  	[tilespmem:s11], [sflag:$0x5] =	stream.linear.gather [hbm4b:s10+s2], $0x20, $0x38;
	[tilespmem:$0x10200] =	vst v63  }
0x28: {  	_ =	swait.ge [sflag:s8], $0x20  }
0x29: {  	[sflag:s8] =	ssyncset.done $0x0  }
0x2a: {  	[sflag:s8] =	ssyncadd.s32 $0xFFFFFFE0  }
0x2b: {  	v3 =	vld [tilespmem:$0x0];
	_ =	sdelay $0x4  }
0x2c: {  	v4 =	vshll.u32 v3, $0x3  }
0x2d: {  	v3 =	vand.u32 $0x7, v3;
	v4 =	vand.u32 $0xFFFFFFC0, v4  }
0x2e: {  	v3 =	vor.u32 v3, v4  }
0x2f: {  	v4 =	vperm.xlane v3, v0;
	_ =	sdelay $0x1  }
0x30: {  	v4 =	vadd.s32 v1, v4;
	_ =	sdelay $0x4  }
0x31: {  	[tilespmem:s25], [sflag:$0x1] =	stream.indirect_vreg.gather [hbm4b:s3+s2], $0x80, v4, vm0, $0xb8;
	[tilespmem:$0x10200] =	vst v63  }
0x32: {  	s23 =	simm.s32 $0xA00;
	v3 =	vperm.xlane v3, v2  }
0x33: {  	[tilespmem:s23], [sflag:$0x1] =	stream.indirect_vreg.gather [hbm4b:s4+s2], $0x80, v4, vm0, $0xb8;
	[tilespmem:$0x10200] =	vst v63  }
0x34: {  	v3 =	vadd.s32 v1, v3  }
0x35: {  	[tilespmem:s24], [sflag:$0x1] =	stream.indirect_vreg.gather [hbm4b:s5+s2], $0x80, v4, vm0, $0xb8;
	[tilespmem:$0x10200] =	vst v63  }
0x36: {  	_ = 	snop  }
0x37: {  	[tilespmem:s26], [sflag:$0x1] =	stream.indirect_vreg.gather [hbm4b:s6+s2], $0x80, v4, vm0, $0xb8;
	[tilespmem:$0x10200] =	vst v63  }
0x38: {  	_ = 	snop  }
0x39: {  	[tilespmem:s28], [sflag:$0x1] =	stream.indirect_vreg.gather [hbm4b:s3+s2], $0x80, v3, vm0, $0xb8;
	[tilespmem:$0x10200] =	vst v63  }
0x3a: {  	_ = 	snop  }
0x3b: {  	[tilespmem:s29], [sflag:$0x1] =	stream.indirect_vreg.gather [hbm4b:s4+s2], $0x80, v3, vm0, $0xb8;
	[tilespmem:$0x10200] =	vst v63  }
0x3c: {  	_ = 	snop  }
0x3d: {  	[tilespmem:s30], [sflag:$0x1] =	stream.indirect_vreg.gather [hbm4b:s5+s2], $0x80, v3, vm0, $0xb8;
	[tilespmem:$0x10200] =	vst v63  }
0x3e: {  	_ = 	snop  }
0x3f: {  	[tilespmem:s31], [sflag:$0x1] =	stream.indirect_vreg.gather [hbm4b:s6+s2], $0x80, v3, vm0, $0xb8;
	[tilespmem:$0x10200] =	vst v63  }
0x40: {  	v3 =	vld [tilespmem:$0x10];
	_ =	sdelay $0x4  }
0x41: {  	v57 =	vshll.u32 v3, $0x3  }
0x42: {  	v3 =	vand.u32 $0x7, v3;
	v4 =	vand.u32 $0xFFFFFFC0, v57  }
0x43: {  	v3 =	vor.u32 v3, v4  }
0x44: {  	v4 =	vperm.xlane v3, v0;
	_ =	sdelay $0x1  }
0x45: {  	v4 =	vadd.s32 v1, v4;
	_ =	sdelay $0x3  }
0x46: {  	s9 =	simm.s32 $0x4200  }
0x47: {  	[tilespmem:s9], [sflag:$0x1] =	stream.indirect_vreg.gather [hbm4b:s3+s2], $0x80, v4, vm0, $0xb8;
	[tilespmem:$0x10200] =	vst v63  }
0x48: {  	v3 =	vperm.xlane v3, v2  }
0x49: {  	[tilespmem:s16], [sflag:$0x1] =	stream.indirect_vreg.gather [hbm4b:s4+s2], $0x80, v4, vm0, $0xb8;
	[tilespmem:$0x10200] =	vst v63  }
0x4a: {  	s10 =	simm.s32 $0x5200;
	v3 =	vadd.s32 v1, v3  }
0x4b: {  	[tilespmem:s10], [sflag:$0x1] =	stream.indirect_vreg.gather [hbm4b:s5+s2], $0x80, v4, vm0, $0xb8;
	[tilespmem:$0x10200] =	vst v63  }
0x4c: {  	s11 =	simm.s32 $0x5A00  }
0x4d: {  	[tilespmem:s11], [sflag:$0x1] =	stream.indirect_vreg.gather [hbm4b:s6+s2], $0x80, v4, vm0, $0xb8;
	[tilespmem:$0x10200] =	vst v63  }
0x4e: {  	_ = 	snop  }
0x4f: {  	[tilespmem:s12], [sflag:$0x1] =	stream.indirect_vreg.gather [hbm4b:s3+s2], $0x80, v3, vm0, $0xb8;
	[tilespmem:$0x10200] =	vst v63  }
0x50: {  	_ = 	snop  }
0x51: {  	[tilespmem:s13], [sflag:$0x1] =	stream.indirect_vreg.gather [hbm4b:s4+s2], $0x80, v3, vm0, $0xb8;
	[tilespmem:$0x10200] =	vst v63  }
0x52: {  	_ = 	snop  }
0x53: {  	[tilespmem:s14], [sflag:$0x1] =	stream.indirect_vreg.gather [hbm4b:s5+s2], $0x80, v3, vm0, $0xb8;
	[tilespmem:$0x10200] =	vst v63  }
0x54: {  	_ = 	snop  }
0x55: {  	[tilespmem:s15], [sflag:$0x1] =	stream.indirect_vreg.gather [hbm4b:s6+s2], $0x80, v3, vm0, $0xb8;
	[tilespmem:$0x10200] =	vst v63  }
0x56: {  	v3 =	vld [tilespmem:$0x80];
	_ =	sdelay $0x4  }
0x57: {  	v58 =	vshll.u32 v3, $0x3  }
0x58: {  	v3 =	vand.u32 $0x7, v3;
	v4 =	vand.u32 $0xFFFFFFC0, v58  }
0x59: {  	v3 =	vor.u32 v3, v4  }
0x5a: {  	v4 =	vperm.xlane v3, v0;
	_ =	sdelay $0x1  }
0x5b: {  	v4 =	vadd.s32 v1, v4;
	_ =	sdelay $0x4  }
0x5c: {  	[tilespmem:s18], [sflag:$0x2] =	stream.indirect_vreg.gather [hbm4b:s3+s2], $0x80, v4, vm0, $0xb8;
	[tilespmem:$0x10200] =	vst v63  }
0x5d: {  	s0 =	simm.s32 $0x8A00;
	v3 =	vperm.xlane v3, v2  }
0x5e: {  	[tilespmem:s0], [sflag:$0x2] =	stream.indirect_vreg.gather [hbm4b:s4+s2], $0x80, v4, vm0, $0xb8;
	[tilespmem:$0x10200] =	vst v63  }
0x5f: {  	v3 =	vadd.s32 v1, v3  }
0x60: {  	[tilespmem:s17], [sflag:$0x2] =	stream.indirect_vreg.gather [hbm4b:s5+s2], $0x80, v4, vm0, $0xb8;
	[tilespmem:$0x10200] =	vst v63  }
0x61: {  	s22 =	simm.s32 $0x9A00  }
0x62: {  	[tilespmem:s22], [sflag:$0x2] =	stream.indirect_vreg.gather [hbm4b:s6+s2], $0x80, v4, vm0, $0xb8;
	[tilespmem:$0x10200] =	vst v63  }
0x63: {  	_ = 	snop  }
0x64: {  	[tilespmem:s19], [sflag:$0x2] =	stream.indirect_vreg.gather [hbm4b:s3+s2], $0x80, v3, vm0, $0xb8;
	[tilespmem:$0x10200] =	vst v63  }
0x65: {  	_ = 	snop  }
0x66: {  	[tilespmem:s20], [sflag:$0x2] =	stream.indirect_vreg.gather [hbm4b:s4+s2], $0x80, v3, vm0, $0xb8;
	[tilespmem:$0x10200] =	vst v63  }
0x67: {  	_ = 	snop  }
0x68: {  	[tilespmem:s21], [sflag:$0x2] =	stream.indirect_vreg.gather [hbm4b:s5+s2], $0x80, v3, vm0, $0xb8;
	[tilespmem:$0x10200] =	vst v63  }
0x69: {  	s22 =	simm.s32 $0xBA00  }
0x6a: {  	[tilespmem:s22], [sflag:$0x2] =	stream.indirect_vreg.gather [hbm4b:s6+s2], $0x80, v3, vm0, $0xb8;
	[tilespmem:$0x10200] =	vst v63  }
0x6b: {  	v3 =	vld [tilespmem:$0x90];
	_ =	sdelay $0x4  }
0x6c: {  	v59 =	vshll.u32 v3, $0x3  }
0x6d: {  	v3 =	vand.u32 $0x7, v3;
	v4 =	vand.u32 $0xFFFFFFC0, v59  }
0x6e: {  	v3 =	vor.u32 v3, v4  }
0x6f: {  	v4 =	vperm.xlane v3, v0;
	_ =	sdelay $0x1  }
0x70: {  	v4 =	vadd.s32 v1, v4;
	_ =	sdelay $0x3  }
0x71: {  	s22 =	simm.s32 $0xC200  }
0x72: {  	[tilespmem:s22], [sflag:$0x2] =	stream.indirect_vreg.gather [hbm4b:s3+s2], $0x80, v4, vm0, $0xb8;
	[tilespmem:$0x10200] =	vst v63  }
0x73: {  	v3 =	vperm.xlane v3, v2;
	s22 =	simm.s32 $0xCA00  }
0x74: {  	[tilespmem:s22], [sflag:$0x2] =	stream.indirect_vreg.gather [hbm4b:s4+s2], $0x80, v4, vm0, $0xb8;
	[tilespmem:$0x10200] =	vst v63  }
0x75: {  	v3 =	vadd.s32 v1, v3;
	s22 =	simm.s32 $0xD200  }
0x76: {  	[tilespmem:s22], [sflag:$0x2] =	stream.indirect_vreg.gather [hbm4b:s5+s2], $0x80, v4, vm0, $0xb8;
	[tilespmem:$0x10200] =	vst v63  }
0x77: {  	s22 =	simm.s32 $0xDA00  }
0x78: {  	[tilespmem:s22], [sflag:$0x2] =	stream.indirect_vreg.gather [hbm4b:s6+s2], $0x80, v4, vm0, $0xb8;
	[tilespmem:$0x10200] =	vst v63  }
0x79: {  	s22 =	simm.s32 $0xE200  }
0x7a: {  	[tilespmem:s22], [sflag:$0x2] =	stream.indirect_vreg.gather [hbm4b:s3+s2], $0x80, v3, vm0, $0xb8;
	[tilespmem:$0x10200] =	vst v63  }
0x7b: {  	s22 =	simm.s32 $0xEA00  }
0x7c: {  	[tilespmem:s22], [sflag:$0x2] =	stream.indirect_vreg.gather [hbm4b:s4+s2], $0x80, v3, vm0, $0xb8;
	[tilespmem:$0x10200] =	vst v63  }
0x7d: {  	s22 =	simm.s32 $0xF200  }
0x7e: {  	[tilespmem:s22], [sflag:$0x2] =	stream.indirect_vreg.gather [hbm4b:s5+s2], $0x80, v3, vm0, $0xb8;
	[tilespmem:$0x10200] =	vst v63  }
0x7f: {  	s0 =	simm.s32 $0x1;
	s22 =	simm.s32 $0xFA00  }
0x80: {  	[tilespmem:s22], [sflag:$0x2] =	stream.indirect_vreg.gather [hbm4b:s6+s2], $0x80, v3, vm0, $0xb8;
	[tilespmem:$0x10200] =	vst v63  }
0x81: {  	_ =	swait.ge [sflag:s0], $0x8000  }
0x82: {  	[sflag:s0] =	ssyncset.done $0x0  }
0x83: {  	s22 =	rddreg [dreg:$0x7];
	[sflag:s0] =	ssyncadd.s32 $0xFFFF8000  }
0x84: {  	[hbm4b:s22+s2] =	stream.linear.scatter [tilespmem:s25], [sflag:$0x3], $0x8000, $0x38;
	[tilespmem:$0x10200] =	vst v63  }
0x85: {  	_ =	swait.ge [sflag:s1], $0x8000  }
0x86: {  	[sflag:s1] =	ssyncset.done $0x0  }
0x87: {  	[sflag:s1] =	ssyncadd.s32 $0xFFFF8000  }
0x88: {  	v3 =	vld [tilespmem:$0x100];
	_ =	sdelay $0x4  }
0x89: {  	v60 =	vshll.u32 v3, $0x3  }
0x8a: {  	v3 =	vand.u32 $0x7, v3;
	v4 =	vand.u32 $0xFFFFFFC0, v60  }
0x8b: {  	v3 =	vor.u32 v3, v4  }
0x8c: {  	v4 =	vperm.xlane v3, v0;
	_ =	sdelay $0x1  }
0x8d: {  	v4 =	vadd.s32 v1, v4;
	_ =	sdelay $0x4  }
0x8e: {  	[tilespmem:s25], [sflag:$0x1] =	stream.indirect_vreg.gather [hbm4b:s3+s2], $0x80, v4, vm0, $0xb8;
	[tilespmem:$0x10200] =	vst v63  }
0x8f: {  	v3 =	vperm.xlane v3, v2  }
0x90: {  	[tilespmem:s23], [sflag:$0x1] =	stream.indirect_vreg.gather [hbm4b:s4+s2], $0x80, v4, vm0, $0xb8;
	[tilespmem:$0x10200] =	vst v63  }
0x91: {  	v3 =	vadd.s32 v1, v3  }
0x92: {  	[tilespmem:s24], [sflag:$0x1] =	stream.indirect_vreg.gather [hbm4b:s5+s2], $0x80, v4, vm0, $0xb8;
	[tilespmem:$0x10200] =	vst v63  }
0x93: {  	_ = 	snop  }
0x94: {  	[tilespmem:s26], [sflag:$0x1] =	stream.indirect_vreg.gather [hbm4b:s6+s2], $0x80, v4, vm0, $0xb8;
	[tilespmem:$0x10200] =	vst v63  }
0x95: {  	_ = 	snop  }
0x96: {  	[tilespmem:s28], [sflag:$0x1] =	stream.indirect_vreg.gather [hbm4b:s3+s2], $0x80, v3, vm0, $0xb8;
	[tilespmem:$0x10200] =	vst v63  }
0x97: {  	_ = 	snop  }
0x98: {  	[tilespmem:s29], [sflag:$0x1] =	stream.indirect_vreg.gather [hbm4b:s4+s2], $0x80, v3, vm0, $0xb8;
	[tilespmem:$0x10200] =	vst v63  }
0x99: {  	_ = 	snop  }
0x9a: {  	[tilespmem:s30], [sflag:$0x1] =	stream.indirect_vreg.gather [hbm4b:s5+s2], $0x80, v3, vm0, $0xb8;
	[tilespmem:$0x10200] =	vst v63  }
0x9b: {  	_ = 	snop  }
0x9c: {  	[tilespmem:s31], [sflag:$0x1] =	stream.indirect_vreg.gather [hbm4b:s6+s2], $0x80, v3, vm0, $0xb8;
	[tilespmem:$0x10200] =	vst v63  }
0x9d: {  	v3 =	vld [tilespmem:$0x110];
	_ =	sdelay $0x4  }
0x9e: {  	v61 =	vshll.u32 v3, $0x3  }
0x9f: {  	v3 =	vand.u32 $0x7, v3;
	v4 =	vand.u32 $0xFFFFFFC0, v61  }
0xa0: {  	v3 =	vor.u32 v3, v4  }
0xa1: {  	v4 =	vperm.xlane v3, v0;
	_ =	sdelay $0x1  }
0xa2: {  	v4 =	vadd.s32 v1, v4;
	_ =	sdelay $0x4  }
0xa3: {  	[tilespmem:s9], [sflag:$0x1] =	stream.indirect_vreg.gather [hbm4b:s3+s2], $0x80, v4, vm0, $0xb8;
	[tilespmem:$0x10200] =	vst v63  }
0xa4: {  	v3 =	vperm.xlane v3, v2  }
0xa5: {  	[tilespmem:s16], [sflag:$0x1] =	stream.indirect_vreg.gather [hbm4b:s4+s2], $0x80, v4, vm0, $0xb8;
	[tilespmem:$0x10200] =	vst v63  }
0xa6: {  	v3 =	vadd.s32 v1, v3  }
0xa7: {  	[tilespmem:s10], [sflag:$0x1] =	stream.indirect_vreg.gather [hbm4b:s5+s2], $0x80, v4, vm0, $0xb8;
	[tilespmem:$0x10200] =	vst v63  }
0xa8: {  	_ = 	snop  }
0xa9: {  	[tilespmem:s11], [sflag:$0x1] =	stream.indirect_vreg.gather [hbm4b:s6+s2], $0x80, v4, vm0, $0xb8;
	[tilespmem:$0x10200] =	vst v63  }
0xaa: {  	_ = 	snop  }
0xab: {  	[tilespmem:s12], [sflag:$0x1] =	stream.indirect_vreg.gather [hbm4b:s3+s2], $0x80, v3, vm0, $0xb8;
	[tilespmem:$0x10200] =	vst v63  }
0xac: {  	_ = 	snop  }
0xad: {  	[tilespmem:s13], [sflag:$0x1] =	stream.indirect_vreg.gather [hbm4b:s4+s2], $0x80, v3, vm0, $0xb8;
	[tilespmem:$0x10200] =	vst v63  }
0xae: {  	_ = 	snop  }
0xaf: {  	[tilespmem:s14], [sflag:$0x1] =	stream.indirect_vreg.gather [hbm4b:s5+s2], $0x80, v3, vm0, $0xb8;
	[tilespmem:$0x10200] =	vst v63  }
0xb0: {  	s9 =	simm.s32 $0x2  }
0xb1: {  	[tilespmem:s15], [sflag:$0x1] =	stream.indirect_vreg.gather [hbm4b:s6+s2], $0x80, v3, vm0, $0xb8;
	[tilespmem:$0x10200] =	vst v63  }
0xb2: {  	_ =	swait.ge [sflag:s9], $0x8000  }
0xb3: {  	[sflag:s9] =	ssyncset.done $0x0  }
0xb4: {  	s10 =	simm.s32 $0x4;
	s11 =	rddreg [dreg:$0x8];
	[sflag:s9] =	ssyncadd.s32 $0xFFFF8000  }
0xb5: {  	[hbm4b:s11+s2] =	stream.linear.scatter [tilespmem:s18], [sflag:$0x4], $0x8000, $0x38;
	[tilespmem:$0x10200] =	vst v63  }
0xb6: {  	_ =	swait.ge [sflag:s10], $0x8000  }
0xb7: {  	[sflag:s10] =	ssyncset.done $0x0  }
0xb8: {  	[sflag:s10] =	ssyncadd.s32 $0xFFFF8000  }
0xb9: {  	v3 =	vld [tilespmem:$0x180];
	_ =	sdelay $0x4  }
0xba: {  	v62 =	vshll.u32 v3, $0x3  }
0xbb: {  	v3 =	vand.u32 $0x7, v3;
	v4 =	vand.u32 $0xFFFFFFC0, v62  }
0xbc: {  	v3 =	vor.u32 v3, v4  }
0xbd: {  	v4 =	vperm.xlane v3, v0;
	_ =	sdelay $0x1  }
0xbe: {  	v4 =	vadd.s32 v1, v4;
	_ =	sdelay $0x4  }
0xbf: {  	[tilespmem:s18], [sflag:$0x2] =	stream.indirect_vreg.gather [hbm4b:s3+s2], $0x80, v4, vm0, $0xb8;
	[tilespmem:$0x10200] =	vst v63  }
0xc0: {  	s23 =	simm.s32 $0x8A00;
	v3 =	vperm.xlane v3, v2  }
0xc1: {  	[tilespmem:s23], [sflag:$0x2] =	stream.indirect_vreg.gather [hbm4b:s4+s2], $0x80, v4, vm0, $0xb8;
	[tilespmem:$0x10200] =	vst v63  }
0xc2: {  	v3 =	vadd.s32 v1, v3  }
0xc3: {  	[tilespmem:s17], [sflag:$0x2] =	stream.indirect_vreg.gather [hbm4b:s5+s2], $0x80, v4, vm0, $0xb8;
	[tilespmem:$0x10200] =	vst v63  }
0xc4: {  	s22 =	simm.s32 $0x9A00  }
0xc5: {  	[tilespmem:s22], [sflag:$0x2] =	stream.indirect_vreg.gather [hbm4b:s6+s2], $0x80, v4, vm0, $0xb8;
	[tilespmem:$0x10200] =	vst v63  }
0xc6: {  	_ = 	snop  }
0xc7: {  	[tilespmem:s19], [sflag:$0x2] =	stream.indirect_vreg.gather [hbm4b:s3+s2], $0x80, v3, vm0, $0xb8;
	[tilespmem:$0x10200] =	vst v63  }
0xc8: {  	_ = 	snop  }
0xc9: {  	[tilespmem:s20], [sflag:$0x2] =	stream.indirect_vreg.gather [hbm4b:s4+s2], $0x80, v3, vm0, $0xb8;
	[tilespmem:$0x10200] =	vst v63  }
0xca: {  	_ = 	snop  }
0xcb: {  	[tilespmem:s21], [sflag:$0x2] =	stream.indirect_vreg.gather [hbm4b:s5+s2], $0x80, v3, vm0, $0xb8;
	[tilespmem:$0x10200] =	vst v63  }
0xcc: {  	s23 =	simm.s32 $0xBA00  }
0xcd: {  	[tilespmem:s23], [sflag:$0x2] =	stream.indirect_vreg.gather [hbm4b:s6+s2], $0x80, v3, vm0, $0xb8;
	[tilespmem:$0x10200] =	vst v63  }
0xce: {  	v3 =	vld [tilespmem:$0x190];
	_ =	sdelay $0x4  }
0xcf: {  	v63 =	vshll.u32 v3, $0x3  }
0xd0: {  	v3 =	vand.u32 $0x7, v3;
	v4 =	vand.u32 $0xFFFFFFC0, v63  }
0xd1: {  	v3 =	vor.u32 v3, v4  }
0xd2: {  	v4 =	vperm.xlane v3, v0;
	_ =	sdelay $0x1  }
0xd3: {  	v4 =	vadd.s32 v1, v4;
	_ =	sdelay $0x3  }
0xd4: {  	s22 =	simm.s32 $0xC200  }
0xd5: {  	[tilespmem:s22], [sflag:$0x2] =	stream.indirect_vreg.gather [hbm4b:s3+s2], $0x80, v4, vm0, $0xb8;
	[tilespmem:$0x10200] =	vst v63  }
0xd6: {  	s23 =	simm.s32 $0xCA00;
	v3 =	vperm.xlane v3, v2  }
0xd7: {  	[tilespmem:s23], [sflag:$0x2] =	stream.indirect_vreg.gather [hbm4b:s4+s2], $0x80, v4, vm0, $0xb8;
	[tilespmem:$0x10200] =	vst v63  }
0xd8: {  	v3 =	vadd.s32 v1, v3;
	s22 =	simm.s32 $0xD200  }
0xd9: {  	[tilespmem:s22], [sflag:$0x2] =	stream.indirect_vreg.gather [hbm4b:s5+s2], $0x80, v4, vm0, $0xb8;
	[tilespmem:$0x10200] =	vst v63  }
0xda: {  	s23 =	simm.s32 $0xDA00  }
0xdb: {  	[tilespmem:s23], [sflag:$0x2] =	stream.indirect_vreg.gather [hbm4b:s6+s2], $0x80, v4, vm0, $0xb8;
	[tilespmem:$0x10200] =	vst v63  }
0xdc: {  	s22 =	simm.s32 $0xE200  }
0xdd: {  	[tilespmem:s22], [sflag:$0x2] =	stream.indirect_vreg.gather [hbm4b:s3+s2], $0x80, v3, vm0, $0xb8;
	[tilespmem:$0x10200] =	vst v63  }
0xde: {  	s23 =	simm.s32 $0xEA00  }
0xdf: {  	[tilespmem:s23], [sflag:$0x2] =	stream.indirect_vreg.gather [hbm4b:s4+s2], $0x80, v3, vm0, $0xb8;
	[tilespmem:$0x10200] =	vst v63  }
0xe0: {  	s22 =	simm.s32 $0xF200  }
0xe1: {  	[tilespmem:s22], [sflag:$0x2] =	stream.indirect_vreg.gather [hbm4b:s5+s2], $0x80, v3, vm0, $0xb8;
	[tilespmem:$0x10200] =	vst v63  }
0xe2: {  	s23 =	simm.s32 $0xFA00  }
0xe3: {  	[tilespmem:s23], [sflag:$0x2] =	stream.indirect_vreg.gather [hbm4b:s6+s2], $0x80, v3, vm0, $0xb8;
	[tilespmem:$0x10200] =	vst v63  }
0xe4: {  	_ =	swait.ge [sflag:s0], $0x8000  }
0xe5: {  	[sflag:s0] =	ssyncset.done $0x0  }
0xe6: {  	s11 =	rddreg [dreg:$0x9];
	[sflag:s0] =	ssyncadd.s32 $0xFFFF8000  }
0xe7: {  	[hbm4b:s11+s2] =	stream.linear.scatter [tilespmem:s25], [sflag:$0x3], $0x8000, $0x38;
	[tilespmem:$0x10200] =	vst v63  }
0xe8: {  	_ =	swait.ge [sflag:s9], $0x8000  }
0xe9: {  	[sflag:s9] =	ssyncset.done $0x0  }
0xea: {  	s23 =	rddreg [dreg:$0xa];
	[sflag:s9] =	ssyncadd.s32 $0xFFFF8000  }
0xeb: {  	[hbm4b:s23+s2] =	stream.linear.scatter [tilespmem:s18], [sflag:$0x4], $0x8000, $0x38;
	[tilespmem:$0x10200] =	vst v63  }
0xec: {  	p0 =	sne.s32 s7, $0x1;
	_ =	swait.ge [sflag:s1], $0x8000  }
.Ltmp0:
0xed: {  	[sflag:s1] =	ssyncset.done $0x0;
	(pc) =	sbr.rel @p0 .LBB2_1-.Ltmp0, $4  }
0xee: {  	[sflag:s1] =	ssyncadd.s32 $0xFFFF8000  }
0xef: {  	_ =	swait.ge [sflag:s10], $0x8000  }
0xf0: {  	[sflag:s10] =	ssyncset.done $0x0  }
0xf1: {  	s7 =	sadd.s32 $0xFFFFFFFF, s7;
	[sflag:s10] =	ssyncadd.s32 $0xFFFF8000  }
0xf2: {  	_ =	sfence.sel $0x180000  }
0xf3: {  	[bflag:$0x0] =	sbarrier.arrive $0xFFFF  }
0xf4: {  	_ =	strace $0x9000004A  }
0xf5: {  	s0 =	stileid.u32;
	[bflag:$0x2] =	sbarrier.arrive $0xFFFF  }
0xf6: {  	p0 =	sne.s32 s0, $0x0;
	s0 =	rddreg [dreg:$0x2]  }
0xf7: {  	s0 =	sadd.s32 @!p0 $0x100000, s0  }
0xf8: {  	[sflag:s0] =	ssyncadd.tile.s32 @!p0 $0x1;
	_ =	shalt  }
.Lfunc_end2:
_tile_overlayer_lowered:
.L_overlay_start_2:
0xf9: {  	(tag) =	ssettag $0x2  }
0xfa: {  	s0 =	rddreg [dreg:$0x0];
	s2 =	stileid.u32  }
0xfb: {  	s1 =	rddreg [dreg:$0x1];
	p0 =	sne.s32 s2, $0x0  }
0xfc: {  	s3 =	rddreg [dreg:$0x2];
	[bflag:$0x3] =	sbarrier.arrive $0xFFFF;
	s2 =	simm.s32 @!p0 $0x1C05  }
0xfd: {  	[timem:s3], [sflag:s2] =	dma.local @!p0 [hbm:s0], s1  }
0xfe: {  	s0 =	simm.s32 @!p0 $0x5  }
0xff: {  	_ =	swait.ge @!p0 [sflag:s0], s1  }
0x100: {  	s1 =	ssub.s32 @!p0 $0x0, s1;
	[sflag:s0] =	ssyncset.done @!p0 $0x0  }
0x101: {  	[sflag:s0] =	ssyncadd.s32 @!p0 s1  }
0x102: {  	[bflag:$0x3] =	sbarrier.arrive $0xFFFF  }
0x103: {  	_ =	shalt  }

// kernel: kernel.7.cloned.1.call-start
scs
__scs_entry_jumppad:
0x0: {  	(pc) =	sbr.rel $0x88, $3  }
0x1: {  	(tag) =	ssettag $0x0;
	lr =	simm.s32 $0x1  }
0x2: {  	[smem:$0x3F9C] =	sst lr;
	_ =	strace $0xD0000000  }
0x3: {  	_ = 	snop  }
0x4: {  	_ = 	snop  }
0x5: {  	_ = 	snop  }
0x6: {  	_ = 	snop  }
0x7: {  	_ = 	snop  }
__scs_overlays_trampoline_lowered:
0x8: {  	[smem:$0x3FAB] =	sst s0  }
0x9: {  	[smem:$0x3FAC] =	sst s1  }
0xa: {  	[smem:$0x3FAD] =	sst s2  }
0xb: {  	[smem:$0x3FAE] =	sst s3  }
0xc: {  	[smem:$0x3FAF] =	sst s4  }
0xd: {  	[smem:$0x3FB0] =	sst s5  }
0xe: {  	[smem:$0x3FB1] =	sst s6  }
0xf: {  	[smem:$0x3FB2] =	sst s7  }
0x10: {  	[smem:$0x3FB3] =	sst s8  }
0x11: {  	[smem:$0x3FB4] =	sst s9;
	s0 =	simm.s32 @!p0 $0x0  }
0x12: {  	s1 =	sld [smem:$0x3F9A];
	s0 =	simm.s32 @p0 $0x1  }
0x13: {  	[smem:$0x3FB5] =	sst s0;
	s0 =	simm.s32 @!p1 $0x0  }
0x14: {  	s2 =	sld [smem:$0x3F99];
	s0 =	simm.s32 @p1 $0x1  }
0x15: {  	[smem:$0x3FB6] =	sst s0;
	s0 =	simm.s32 @!p2 $0x0  }
0x16: {  	s3 =	sld [smem:$0x3FDB];
	s0 =	simm.s32 @p2 $0x1  }
0x17: {  	s4 =	simm.s32 $0x1BF5;
	[smem:$0x3FB8] =	sst s0  }
0x18: {  	s0 =	sld [smem:$0x3F9B];
	_ =	swait.ge [sflag:s4], $0x0  }
0x19: {  	s7 =	sld [smem:$0x3F9C]  }
0x1a: {  	s8 =	sadd.s32 $0xFFFFE003, lr  }
0x1b: {  	s9 =	sadd.s32 $0xFFFFFEF7, lr;
	s5 =	simm.s32 $0xFFFFFFFF;
	p2 =	slt.u32 s8, $0xFFFFF086  }
0x1c: {  	p1 =	slt.u32 s9, $0xF7A;
	s5 =	simm.s32 @!p2 $0x0  }
0x1d: {  	s5 =	simm.s32 @p1 $0x1;
	p0 =	seq.s32 s7, s2  }
0x1e: {  	s7 =	smul.u32 @!p0 $0xF7A, s2;
	p2 =	seq.s32 @!p0 s5, $0x0  }
0x1f: {  	s9 =	smul.u32 $0xF7A, s1;
	s8 =	simm.s32 @!p0 $0x1BF5;
	p2 =	por !p2, p0  }
0x20: {  	[sflag:s8] =	ssyncset.s32 @!p0 $0xFFFFF086;
	s6 =	sadd.s32 @!p0 s3, s7;
	s7 =	simm.s32 @!p0 $0x108  }
0x21: {  	s3 =	sadd.s32 s3, s9;
	s6 =	sadd.s32 @!p0 $0x88, s6;
	s7 =	simm.s32 @p2 $0x1082  }
0x22: {  	[simem:s7], [sflag:s8] =	dma.local @!p0 [hbm:s6], $0xF7A  }
0x23: {  	s9 =	sor.u32 $0xD0000000, s2;
	s6 =	simm.s32 $0x108;
	_ =	swait.ge @!p0 [sflag:s8], $0x0  }
0x24: {  	s3 =	sadd.s32 $0x88, s3;
	s6 =	simm.s32 @!p1 $0x1082;
	[sflag:s4] =	ssyncset.s32 $0xFFFFF086  }
0x25: {  	[simem:s6], [sflag:s4] =	dma.local [hbm:s3], $0xF7A  }
0x26: {  	[smem:$0x3F9C] =	sst s1;
	(tag) =	ssettag s2;
	_ =	strace s9  }
0x27: {  	s1 =	sld [smem:$0x3FAC]  }
0x28: {  	s2 =	sld [smem:$0x3FAD]  }
0x29: {  	s4 =	sld [smem:$0x3FAF]  }
0x2a: {  	p0 =	seq.s32 s5, $0x0;
	s5 =	sld [smem:$0x3FB0]  }
0x2b: {  	s6 =	sld [smem:$0x3FB1]  }
0x2c: {  	s7 =	sld [smem:$0x3FB2]  }
0x2d: {  	s3 =	simm.s32 $0x108;
	s8 =	sld [smem:$0x3FB3]  }
0x2e: {  	s3 =	simm.s32 @!p0 $0x1082;
	s9 =	sld [smem:$0x3FB4]  }
0x2f: {  	lr =	sadd.s32 s0, s3;
	s0 =	sld [smem:$0x3FAB]  }
0x30: {  	s3 =	sld [smem:$0x3FAE]  }
0x31: {  	[smem:$0x3FB7] =	sst s10  }
0x32: {  	s10 =	sld [smem:$0x3FB5];
	_ =	sdelay $0x3  }
0x33: {  	p0 =	seq.s32 s10, $0x1;
	s10 =	sld [smem:$0x3FB7];
	_ =	sdelay $0x3  }
0x34: {  	[smem:$0x3FB7] =	sst s10  }
0x35: {  	s10 =	sld [smem:$0x3FB6];
	_ =	sdelay $0x3  }
0x36: {  	p1 =	seq.s32 s10, $0x1;
	s10 =	sld [smem:$0x3FB7];
	_ =	sdelay $0x3  }
0x37: {  	[smem:$0x3FB7] =	sst s10  }
0x38: {  	s10 =	sld [smem:$0x3FB8]  }
0x39: {  	_ = 	snop;
	(pc) =	sbr.ind lr, $3  }
0x3a: {  	_ = 	snop  }
0x3b: {  	_ = 	snop  }
0x3c: {  	p2 =	seq.s32 s10, $0x1;
	s10 =	sld [smem:$0x3FB7]  }
0x3d: {  	_ =	shalt  }
0x3e: {  	_ =	shalt  }
0x3f: {  	_ =	shalt  }
0x40: {  	_ =	shalt  }
0x41: {  	_ =	shalt  }
0x42: {  	_ =	shalt  }
0x43: {  	_ =	shalt  }
0x44: {  	_ =	shalt  }
0x45: {  	_ =	shalt  }
0x46: {  	_ =	shalt  }
0x47: {  	_ =	shalt  }
0x48: {  	_ =	shalt  }
0x49: {  	_ =	shalt  }
0x4a: {  	_ =	shalt  }
0x4b: {  	_ =	shalt  }
0x4c: {  	_ =	shalt  }
0x4d: {  	_ =	shalt  }
0x4e: {  	_ =	shalt  }
0x4f: {  	_ =	shalt  }
0x50: {  	_ =	shalt  }
0x51: {  	_ =	shalt  }
0x52: {  	_ =	shalt  }
0x53: {  	_ =	shalt  }
0x54: {  	_ =	shalt  }
0x55: {  	_ =	shalt  }
0x56: {  	_ =	shalt  }
0x57: {  	_ =	shalt  }
0x58: {  	_ =	shalt  }
0x59: {  	_ =	shalt  }
0x5a: {  	_ =	shalt  }
0x5b: {  	_ =	shalt  }
0x5c: {  	_ =	shalt  }
0x5d: {  	_ =	shalt  }
0x5e: {  	_ =	shalt  }
0x5f: {  	_ =	shalt  }
0x60: {  	_ =	shalt  }
0x61: {  	_ =	shalt  }
0x62: {  	_ =	shalt  }
0x63: {  	_ =	shalt  }
0x64: {  	_ =	shalt  }
0x65: {  	_ =	shalt  }
0x66: {  	_ =	shalt  }
0x67: {  	_ =	shalt  }
0x68: {  	_ =	shalt  }
0x69: {  	_ =	shalt  }
0x6a: {  	_ =	shalt  }
0x6b: {  	_ =	shalt  }
0x6c: {  	_ =	shalt  }
0x6d: {  	_ =	shalt  }
0x6e: {  	_ =	shalt  }
0x6f: {  	_ =	shalt  }
0x70: {  	_ =	shalt  }
0x71: {  	_ =	shalt  }
0x72: {  	_ =	shalt  }
0x73: {  	_ =	shalt  }
0x74: {  	_ =	shalt  }
0x75: {  	_ =	shalt  }
0x76: {  	_ =	shalt  }
0x77: {  	_ =	shalt  }
0x78: {  	_ =	shalt  }
0x79: {  	_ =	shalt  }
0x7a: {  	_ =	shalt  }
0x7b: {  	_ =	shalt  }
0x7c: {  	_ =	shalt  }
0x7d: {  	_ =	shalt  }
0x7e: {  	_ =	shalt  }
0x7f: {  	_ =	shalt  }
0x80: {  	_ =	shalt  }
0x81: {  	_ =	shalt  }
0x82: {  	_ =	shalt  }
0x83: {  	_ =	shalt  }
0x84: {  	_ =	shalt  }
0x85: {  	_ =	shalt  }
0x86: {  	_ =	shalt  }
0x87: {  	_ =	shalt  }
.Lfunc_end0:
.L_simem_size_0:
called_computation_lowered:
.L_overlay_start_0:
0x88: {  	s2 =	sld [smem:$0x3FD9]  }
0x89: {  	s3 =	sld [smem:$0x3FFE];
	_ =	sdelay $0x1  }
0x8a: {  	s1 =	srdreg.scid  }
0x8b: {  	s0 =	sand.u32 $0x1, s1  }
0x8c: {  	s17 =	sshll.u32 s0, $0xA;
	s2 =	sadd.s32 s3, s2  }
0x8d: {  	s2 =	sadd.s32 s2, s17  }
0x8e: {  	[smem:$0x3FC3] =	sst s2  }
0x8f: {  	_ = 	snop  }
0x90: {  	s2 =	sld [smem:$0x3FC9]  }
0x91: {  	s18 =	sld [smem:$0x3FD0];
	(tm) =	ssettm $0x1  }
0x92: {  	s4 =	sld [smem:$0x3FFB];
	_ =	sdelay $0x3  }
0x93: {  	_ =	strace s4  }
0x94: {  	s4 =	sld [smem:$0x3FFC];
	_ =	sdelay $0x3  }
0x95: {  	_ =	strace s4  }
0x96: {  	s4 =	sld [smem:$0x3FFD];
	_ =	sdelay $0x3  }
0x97: {  	_ =	strace s4  }
0x98: {  	_ =	strace $0x8FFFFFFF  }
0x99: {  	s19 =	sld [smem:$0x3FDB];
	_ =	sdelay $0x1  }
0x9a: {  	s5 =	simm.s32 $_scs_section_size  }
0x9b: {  	s6 =	simm.s32 $_size__tile_overlayer_lowered;
	s7 =	simm.s32 $_tile_overlayer_lowered  }
0x9c: {  	s22 =	simm.s32 $0x1BFF;
	s21 =	sshll.u32 s7, $0x1;
	s4 =	sadd.s32 s5, s19  }
0x9d: {  	s8 =	simm.s32 $0x0;
	s20 =	sshll.u32 s6, $0x1;
	s6 =	sadd.s32 s21, s4  }
0x9e: {  	[timem:s8], [sflag:s22] =	dma.local [hbm:s6], s20  }
0x9f: {  	_ =	swait.ge [sflag:s22], s20  }
0xa0: {  	s5 =	ssub.s32 $0x0, s20;
	[sflag:s22] =	ssyncset.done $0x0  }
0xa1: {  	[sflag:s22] =	ssyncadd.s32 s5;
	_ =	sdelay $0x1  }
0xa2: {  	s23 =	simm.s32 $0x1B8B  }
0xa3: {  	_ =	swait.ge [sflag:s23], $0x1  }
0xa4: {  	[sflag:s23] =	ssyncset.done $0x0  }
0xa5: {  	s25 =	simm.s32 $0x1B8E;
	s24 =	sld [smem:$0x3FFE];
	[sflag:s23] =	ssyncadd.s32 $0xFFFFFFFF  }
0xa6: {  	s26 =	simm.s32 $execute0_lowered;
	[smem:$0x3FD2] =	sst s25  }
0xa7: {  	s6 =	sshll.u32 s26, $0x1;
	_ =	strace $0x80000046;
	[dreg:$0x1] =	wrdreg $0xFFFFFFFF  }
0xa8: {  	s28 =	simm.s32 $_size_execute0_lowered;
	s4 =	sadd.s32 s4, s6;
	[dreg:$0x0] =	wrdreg $0x0  }
0xa9: {  	s6 =	sshll.u32 s28, $0x1;
	[dreg:$0x2] =	wrdreg s4  }
0xaa: {  	[dreg:$0x3] =	wrdreg s6  }
0xab: {  	[dreg:$0x4] =	wrdreg $0xC0  }
0xac: {  	_ =	task [dreg:s8], $0x5FFFF  }
0xad: {  	[dreg:$0x1] =	wrdreg $0xFFFFFFFF  }
0xae: {  	[dreg:$0x0] =	wrdreg $0x60  }
0xaf: {  	[dreg:$0x2] =	wrdreg s2  }
0xb0: {  	[dreg:$0x3] =	wrdreg s18  }
0xb1: {  	[dreg:$0x4] =	wrdreg s24  }
0xb2: {  	[dreg:$0x5] =	wrdreg $0x9  }
0xb3: {  	_ =	task.clear_ibuf [dreg:s8], $0x6FFFF;
	_ =	strace $0x90000046  }
0xb4: {  	s29 =	simm.s32 $0x9;
	_ =	strace $0x80000048  }
0xb5: {  	_ =	swait.ge [sflag:s29], $0x1  }
0xb6: {  	[sflag:s29] =	ssyncadd.s32 $0xFFFFFFFF  }
0xb7: {  	_ =	strace $0x90000048  }
0xb8: {  	_ =	sfence  }
0xb9: {  	s30 =	sld [smem:$0x0];
	_ =	sdelay $0x2  }
0xba: {  	s31 =	sshll.u32 s1, $0xD;
	s1 =	sshrl.u32 s1, $0x2  }
0xbb: {  	s3 =	sand.u32 $0x4000, s31;
	s1 =	sadd.s32 s1, s30  }
0xbc: {  	s0 =	sor.u32 s3, s0;
	s1 =	sshll.u32 s1, $0x11  }
0xbd: {  	s0 =	sor.u32 s1, s0  }
0xbe: {  	s0 =	sadd.s32 $0x8F2B, s0  }
0xbf: {  	[sflag:s0] =	ssyncadd.remote.s32 $0x1  }
0xc0: {  	_ =	sfence.sel $0xFFFF  }
0xc1: {  	[dreg:$0x0] =	wrdreg $0xFFFFFFFF;
	(pc) =	sbr.abs _section_cstart, $3  }
0xc2: {  	[dreg:$0x1] =	wrdreg $0xFFFFFFFF  }
0xc3: {  	_ =	task.clear_ibuf [dreg:s8], $0x2FFFF;
	_ =	strace $0x9FFFFFFF  }
0xc4: {  	(tm) =	ssettm $0x7FFFFFFF  }
0xc5: {  	_ =	shalt  }
tec
execute0_lowered:
.L_overlay_start_1:
0x0: {  	(tag) =	ssettag $0x1  }
0x1: {  	s0 =	rddreg [dreg:$0x0]  }
0x2: {  	s1 =	srdreg.scid;
	s3 =	rddreg [dreg:$0x1]  }
0x3: {  	s2 =	stileid.u32;
	s5 =	rddreg [dreg:$0x2];
	s25 =	simm.s32 $0x80  }
0x4: {  	s26 =	simm.s32 $0x100;
	s28 =	simm.s32 $0x180;
	s10 =	simm.s32 $0x5  }
0x5: {  	s13 =	simm.s32 $0x8200;
	s30 =	simm.s32 $0x1;
	s29 =	simm.s32 $0x1200  }
0x6: {  	s31 =	simm.s32 $0x3;
	s11 =	simm.s32 $0x9A00;
	s14 =	simm.s32 $0xBA00  }
0x7: {  	s15 =	simm.s32 $0xC200;
	s16 =	simm.s32 $0xCA00;
	s17 =	simm.s32 $0xD200  }
0x8: {  	s1 =	sand.u32 $0x1, s1;
	s4 =	sshll.u32 s2, $0x8;
	s2 =	simm.s32 $0x0  }
0x9: {  	s8 =	sadd.s32 $0x2500, s5;
	s6 =	sshll.u32 s1, $0x7;
	[smem:$0x7FF] =	sst s2  }
0xa: {  	s20 =	ssub.s32 $0x2, s1;
	_ =	strace $0x80000047;
	[dreg:$0xa] =	wrdreg s25  }
0xb: {  	s1 =	simm.s32 $0xA200;
	s6 =	sor.u32 s6, s4;
	[dreg:$0xb] =	wrdreg s26  }
0xc: {  	s22 =	sshrl.u32 s20, $0x1;
	[dreg:$0xc] =	wrdreg s28;
	s4 =	sshrl.u32 s6, $0x3  }
0xd: {  	s25 =	simm.s32 $0x4;
	s6 =	sshll.u32 s6, $0x7;
	s7 =	sadd.s32 s3, s4  }
0xe: {  	s4 =	sadd.s32 $0x2200, s5;
	s6 =	sand.u32 $0x3C000, s6;
	s3 =	sadd.s32 $0x4, s7  }
0xf: {  	s18 =	sadd.s32 $0x8, s7;
	[dreg:$0xd] =	wrdreg s7;
	s19 =	sadd.s32 $0xC, s7  }
0x10: {  	s6 =	sadd.s32 s0, s6;
	s0 =	ssub.s32 s20, s22;
	[dreg:$0x4] =	wrdreg s3  }
0x11: {  	s7 =	sadd.s32 $0x2400, s5;
	s20 =	simm.s32 $0xEA00;
	[dreg:$0x5] =	wrdreg s18  }
0x12: {  	s22 =	simm.s32 $0xFA00;
	[dreg:$0x6] =	wrdreg s19;
	s21 =	sadd.s32 $0x1000, s6  }
0x13: {  	s23 =	sadd.s32 $0x2000, s6;
	[dreg:$0xe] =	wrdreg s6;
	s24 =	sadd.s32 $0x3000, s6  }
0x14: {  	s6 =	sadd.s32 $0x2300, s5;
	s9 =	smax.u32 s0, $0x1;
	[dreg:$0x7] =	wrdreg s21  }
0x15: {  	v2 =	vlaneseq.u32;
	s3 =	simm.s32 $0xAA00;
	s5 =	simm.s32 $0xB200;
	[dreg:$0x8] =	wrdreg s23  }
0x16: {  	vm0 =	vmmov $0xffff;
	v1 =	vshrl.u32 v2, $0x3;
	s18 =	simm.s32 $0xDA00;
	s19 =	simm.s32 $0xE200;
	[dreg:$0x9] =	wrdreg s24  }
0x17: {  	v0 =	vand.u32 $0x7, v2;
	v2 =	vor.u32 $0x8, v2;
	v1 =	vmul.u32 $0x8, v1;
	s23 =	simm.s32 $0x8A00;
	s24 =	simm.s32 $0x9200;
	s21 =	simm.s32 $0xF200  }
.LBB2_1:
0x18: {  	s26 =	rddreg [dreg:$0xd]  }
0x19: {  	[tilespmem:s2], [sflag:$0x5] =	stream.linear.gather [hbm4b:s26+s2], $0x20, $0x38;
	[tilespmem:$0x10200] =	vst v63  }
0x1a: {  	_ =	swait.ge [sflag:s10], $0x20  }
0x1b: {  	s12 =	rddreg [dreg:$0x4];
	[sflag:s10] =	ssyncset.done $0x0  }
0x1c: {  	s28 =	rddreg [dreg:$0xa];
	[sflag:s10] =	ssyncadd.s32 $0xFFFFFFE0  }
0x1d: {  	[tilespmem:s28], [sflag:$0x5] =	stream.linear.gather [hbm4b:s12+s2], $0x20, $0x38;
	[tilespmem:$0x10200] =	vst v63  }
0x1e: {  	_ =	swait.ge [sflag:s10], $0x20  }
0x1f: {  	s0 =	rddreg [dreg:$0x5];
	[sflag:s10] =	ssyncset.done $0x0  }
0x20: {  	s12 =	rddreg [dreg:$0xb];
	[sflag:s10] =	ssyncadd.s32 $0xFFFFFFE0  }
0x21: {  	[tilespmem:s12], [sflag:$0x5] =	stream.linear.gather [hbm4b:s0+s2], $0x20, $0x38;
	[tilespmem:$0x10200] =	vst v63  }
0x22: {  	_ =	swait.ge [sflag:s10], $0x20  }
0x23: {  	s0 =	rddreg [dreg:$0x6];
	[sflag:s10] =	ssyncset.done $0x0  }
0x24: {  	s12 =	rddreg [dreg:$0xc];
	[sflag:s10] =	ssyncadd.s32 $0xFFFFFFE0  }
0x25: {  	[tilespmem:s12], [sflag:$0x5] =	stream.linear.gather [hbm4b:s0+s2], $0x20, $0x38;
	[tilespmem:$0x10200] =	vst v63  }
0x26: {  	_ =	swait.ge [sflag:s10], $0x20  }
0x27: {  	[sflag:s10] =	ssyncset.done $0x0  }
0x28: {  	s12 =	simm.s32 $0x200;
	s0 =	rddreg [dreg:$0xe];
	[sflag:s10] =	ssyncadd.s32 $0xFFFFFFE0  }
0x29: {  	[tilespmem:s12], [sflag:$0x1] =	stream.linear.gather [hbm4b:s0+s2], $0x8000, $0x38;
	[tilespmem:$0x10200] =	vst v63  }
0x2a: {  	s26 =	rddreg [dreg:$0x7]  }
0x2b: {  	[tilespmem:s13], [sflag:$0x2] =	stream.linear.gather [hbm4b:s26+s2], $0x8000, $0x38;
	[tilespmem:$0x10200] =	vst v63  }
0x2c: {  	_ =	swait.ge [sflag:s30], $0x8000  }
0x2d: {  	[sflag:s30] =	ssyncset.done $0x0  }
0x2e: {  	[sflag:s30] =	ssyncadd.s32 $0xFFFF8000  }
0x2f: {  	v3 =	vld [tilespmem:$0x0];
	_ =	sdelay $0x4  }
0x30: {  	v4 =	vshll.u32 v3, $0x3  }
0x31: {  	v3 =	vand.u32 $0x7, v3;
	v4 =	vand.u32 $0xFFFFFFC0, v4  }
0x32: {  	v3 =	vor.u32 v3, v4  }
0x33: {  	v4 =	vperm.xlane v3, v0;
	_ =	sdelay $0x1  }
0x34: {  	v4 =	vadd.s32 v1, v4;
	_ =	sdelay $0x4  }
0x35: {  	[hbm4b:s4+s2] =	stream.indirect_vreg.scatter [tilespmem:s12], [sflag:$0x3], $0x80, v4, vm0, $0xb8;
	[tilespmem:$0x10200] =	vst v63  }
0x36: {  	s28 =	simm.s32 $0xA00;
	v3 =	vperm.xlane v3, v2  }
0x37: {  	[hbm4b:s6+s2] =	stream.indirect_vreg.scatter [tilespmem:s28], [sflag:$0x3], $0x80, v4, vm0, $0xb8;
	[tilespmem:$0x10200] =	vst v63  }
0x38: {  	v3 =	vadd.s32 v1, v3  }
0x39: {  	[hbm4b:s7+s2] =	stream.indirect_vreg.scatter [tilespmem:s29], [sflag:$0x3], $0x80, v4, vm0, $0xb8;
	[tilespmem:$0x10200] =	vst v63  }
0x3a: {  	s0 =	simm.s32 $0x1A00  }
0x3b: {  	[hbm4b:s8+s2] =	stream.indirect_vreg.scatter [tilespmem:s0], [sflag:$0x3], $0x80, v4, vm0, $0xb8;
	[tilespmem:$0x10200] =	vst v63  }
0x3c: {  	s26 =	simm.s32 $0x2200  }
0x3d: {  	[hbm4b:s4+s2] =	stream.indirect_vreg.scatter [tilespmem:s26], [sflag:$0x3], $0x80, v3, vm0, $0xb8;
	[tilespmem:$0x10200] =	vst v63  }
0x3e: {  	s26 =	simm.s32 $0x2A00  }
0x3f: {  	[hbm4b:s6+s2] =	stream.indirect_vreg.scatter [tilespmem:s26], [sflag:$0x3], $0x80, v3, vm0, $0xb8;
	[tilespmem:$0x10200] =	vst v63  }
0x40: {  	s26 =	simm.s32 $0x3200  }
0x41: {  	[hbm4b:s7+s2] =	stream.indirect_vreg.scatter [tilespmem:s26], [sflag:$0x3], $0x80, v3, vm0, $0xb8;
	[tilespmem:$0x10200] =	vst v63  }
0x42: {  	s26 =	simm.s32 $0x3A00  }
0x43: {  	[hbm4b:s8+s2] =	stream.indirect_vreg.scatter [tilespmem:s26], [sflag:$0x3], $0x80, v3, vm0, $0xb8;
	[tilespmem:$0x10200] =	vst v63  }
0x44: {  	v3 =	vld [tilespmem:$0x10];
	_ =	sdelay $0x4  }
0x45: {  	v57 =	vshll.u32 v3, $0x3  }
0x46: {  	v3 =	vand.u32 $0x7, v3;
	v4 =	vand.u32 $0xFFFFFFC0, v57  }
0x47: {  	v3 =	vor.u32 v3, v4  }
0x48: {  	v4 =	vperm.xlane v3, v0;
	_ =	sdelay $0x1  }
0x49: {  	v4 =	vadd.s32 v1, v4;
	_ =	sdelay $0x3  }
0x4a: {  	s26 =	simm.s32 $0x4200  }
0x4b: {  	[hbm4b:s4+s2] =	stream.indirect_vreg.scatter [tilespmem:s26], [sflag:$0x3], $0x80, v4, vm0, $0xb8;
	[tilespmem:$0x10200] =	vst v63  }
0x4c: {  	v3 =	vperm.xlane v3, v2;
	s26 =	simm.s32 $0x4A00  }
0x4d: {  	[hbm4b:s6+s2] =	stream.indirect_vreg.scatter [tilespmem:s26], [sflag:$0x3], $0x80, v4, vm0, $0xb8;
	[tilespmem:$0x10200] =	vst v63  }
0x4e: {  	v3 =	vadd.s32 v1, v3;
	s26 =	simm.s32 $0x5200  }
0x4f: {  	[hbm4b:s7+s2] =	stream.indirect_vreg.scatter [tilespmem:s26], [sflag:$0x3], $0x80, v4, vm0, $0xb8;
	[tilespmem:$0x10200] =	vst v63  }
0x50: {  	s26 =	simm.s32 $0x5A00  }
0x51: {  	[hbm4b:s8+s2] =	stream.indirect_vreg.scatter [tilespmem:s26], [sflag:$0x3], $0x80, v4, vm0, $0xb8;
	[tilespmem:$0x10200] =	vst v63  }
0x52: {  	s26 =	simm.s32 $0x6200  }
0x53: {  	[hbm4b:s4+s2] =	stream.indirect_vreg.scatter [tilespmem:s26], [sflag:$0x3], $0x80, v3, vm0, $0xb8;
	[tilespmem:$0x10200] =	vst v63  }
0x54: {  	s26 =	simm.s32 $0x6A00  }
0x55: {  	[hbm4b:s6+s2] =	stream.indirect_vreg.scatter [tilespmem:s26], [sflag:$0x3], $0x80, v3, vm0, $0xb8;
	[tilespmem:$0x10200] =	vst v63  }
0x56: {  	s26 =	simm.s32 $0x7200  }
0x57: {  	[hbm4b:s7+s2] =	stream.indirect_vreg.scatter [tilespmem:s26], [sflag:$0x3], $0x80, v3, vm0, $0xb8;
	[tilespmem:$0x10200] =	vst v63  }
0x58: {  	s26 =	simm.s32 $0x7A00  }
0x59: {  	[hbm4b:s8+s2] =	stream.indirect_vreg.scatter [tilespmem:s26], [sflag:$0x3], $0x80, v3, vm0, $0xb8;
	[tilespmem:$0x10200] =	vst v63  }
0x5a: {  	_ =	swait.ge [sflag:s31], $0x8000  }
0x5b: {  	[sflag:s31] =	ssyncset.done $0x0  }
0x5c: {  	s0 =	rddreg [dreg:$0x8];
	[sflag:s31] =	ssyncadd.s32 $0xFFFF8000  }
0x5d: {  	[tilespmem:s12], [sflag:$0x1] =	stream.linear.gather [hbm4b:s0+s2], $0x8000, $0x38;
	[tilespmem:$0x10200] =	vst v63  }
0x5e: {  	s0 =	simm.s32 $0x2  }
0x5f: {  	_ =	swait.ge [sflag:s0], $0x8000  }
0x60: {  	[sflag:s0] =	ssyncset.done $0x0  }
0x61: {  	[sflag:s0] =	ssyncadd.s32 $0xFFFF8000  }
0x62: {  	v3 =	vld [tilespmem:$0x80];
	_ =	sdelay $0x4  }
0x63: {  	v58 =	vshll.u32 v3, $0x3  }
0x64: {  	v3 =	vand.u32 $0x7, v3;
	v4 =	vand.u32 $0xFFFFFFC0, v58  }
0x65: {  	v3 =	vor.u32 v3, v4  }
0x66: {  	v4 =	vperm.xlane v3, v0;
	_ =	sdelay $0x1  }
0x67: {  	v4 =	vadd.s32 v1, v4;
	_ =	sdelay $0x4  }
0x68: {  	[hbm4b:s4+s2] =	stream.indirect_vreg.scatter [tilespmem:s13], [sflag:$0x4], $0x80, v4, vm0, $0xb8;
	[tilespmem:$0x10200] =	vst v63  }
0x69: {  	v3 =	vperm.xlane v3, v2  }
0x6a: {  	[hbm4b:s6+s2] =	stream.indirect_vreg.scatter [tilespmem:s23], [sflag:$0x4], $0x80, v4, vm0, $0xb8;
	[tilespmem:$0x10200] =	vst v63  }
0x6b: {  	v3 =	vadd.s32 v1, v3  }
0x6c: {  	[hbm4b:s7+s2] =	stream.indirect_vreg.scatter [tilespmem:s24], [sflag:$0x4], $0x80, v4, vm0, $0xb8;
	[tilespmem:$0x10200] =	vst v63  }
0x6d: {  	_ = 	snop  }
0x6e: {  	[hbm4b:s8+s2] =	stream.indirect_vreg.scatter [tilespmem:s11], [sflag:$0x4], $0x80, v4, vm0, $0xb8;
	[tilespmem:$0x10200] =	vst v63  }
0x6f: {  	_ = 	snop  }
0x70: {  	[hbm4b:s4+s2] =	stream.indirect_vreg.scatter [tilespmem:s1], [sflag:$0x4], $0x80, v3, vm0, $0xb8;
	[tilespmem:$0x10200] =	vst v63  }
0x71: {  	_ = 	snop  }
0x72: {  	[hbm4b:s6+s2] =	stream.indirect_vreg.scatter [tilespmem:s3], [sflag:$0x4], $0x80, v3, vm0, $0xb8;
	[tilespmem:$0x10200] =	vst v63  }
0x73: {  	_ = 	snop  }
0x74: {  	[hbm4b:s7+s2] =	stream.indirect_vreg.scatter [tilespmem:s5], [sflag:$0x4], $0x80, v3, vm0, $0xb8;
	[tilespmem:$0x10200] =	vst v63  }
0x75: {  	_ = 	snop  }
0x76: {  	[hbm4b:s8+s2] =	stream.indirect_vreg.scatter [tilespmem:s14], [sflag:$0x4], $0x80, v3, vm0, $0xb8;
	[tilespmem:$0x10200] =	vst v63  }
0x77: {  	v3 =	vld [tilespmem:$0x90];
	_ =	sdelay $0x4  }
0x78: {  	v59 =	vshll.u32 v3, $0x3  }
0x79: {  	v3 =	vand.u32 $0x7, v3;
	v4 =	vand.u32 $0xFFFFFFC0, v59  }
0x7a: {  	v3 =	vor.u32 v3, v4  }
0x7b: {  	v4 =	vperm.xlane v3, v0;
	_ =	sdelay $0x1  }
0x7c: {  	v4 =	vadd.s32 v1, v4;
	_ =	sdelay $0x4  }
0x7d: {  	[hbm4b:s4+s2] =	stream.indirect_vreg.scatter [tilespmem:s15], [sflag:$0x4], $0x80, v4, vm0, $0xb8;
	[tilespmem:$0x10200] =	vst v63  }
0x7e: {  	v3 =	vperm.xlane v3, v2  }
0x7f: {  	[hbm4b:s6+s2] =	stream.indirect_vreg.scatter [tilespmem:s16], [sflag:$0x4], $0x80, v4, vm0, $0xb8;
	[tilespmem:$0x10200] =	vst v63  }
0x80: {  	v3 =	vadd.s32 v1, v3  }
0x81: {  	[hbm4b:s7+s2] =	stream.indirect_vreg.scatter [tilespmem:s17], [sflag:$0x4], $0x80, v4, vm0, $0xb8;
	[tilespmem:$0x10200] =	vst v63  }
0x82: {  	_ = 	snop  }
0x83: {  	[hbm4b:s8+s2] =	stream.indirect_vreg.scatter [tilespmem:s18], [sflag:$0x4], $0x80, v4, vm0, $0xb8;
	[tilespmem:$0x10200] =	vst v63  }
0x84: {  	_ = 	snop  }
0x85: {  	[hbm4b:s4+s2] =	stream.indirect_vreg.scatter [tilespmem:s19], [sflag:$0x4], $0x80, v3, vm0, $0xb8;
	[tilespmem:$0x10200] =	vst v63  }
0x86: {  	_ = 	snop  }
0x87: {  	[hbm4b:s6+s2] =	stream.indirect_vreg.scatter [tilespmem:s20], [sflag:$0x4], $0x80, v3, vm0, $0xb8;
	[tilespmem:$0x10200] =	vst v63  }
0x88: {  	_ = 	snop  }
0x89: {  	[hbm4b:s7+s2] =	stream.indirect_vreg.scatter [tilespmem:s21], [sflag:$0x4], $0x80, v3, vm0, $0xb8;
	[tilespmem:$0x10200] =	vst v63  }
0x8a: {  	_ = 	snop  }
0x8b: {  	[hbm4b:s8+s2] =	stream.indirect_vreg.scatter [tilespmem:s22], [sflag:$0x4], $0x80, v3, vm0, $0xb8;
	[tilespmem:$0x10200] =	vst v63  }
0x8c: {  	_ =	swait.ge [sflag:s25], $0x8000  }
0x8d: {  	[sflag:s25] =	ssyncset.done $0x0  }
0x8e: {  	s26 =	rddreg [dreg:$0x9];
	[sflag:s25] =	ssyncadd.s32 $0xFFFF8000  }
0x8f: {  	[tilespmem:s13], [sflag:$0x2] =	stream.linear.gather [hbm4b:s26+s2], $0x8000, $0x38;
	[tilespmem:$0x10200] =	vst v63  }
0x90: {  	_ =	swait.ge [sflag:s30], $0x8000  }
0x91: {  	[sflag:s30] =	ssyncset.done $0x0  }
0x92: {  	[sflag:s30] =	ssyncadd.s32 $0xFFFF8000  }
0x93: {  	v3 =	vld [tilespmem:$0x100];
	_ =	sdelay $0x4  }
0x94: {  	v60 =	vshll.u32 v3, $0x3  }
0x95: {  	v3 =	vand.u32 $0x7, v3;
	v4 =	vand.u32 $0xFFFFFFC0, v60  }
0x96: {  	v3 =	vor.u32 v3, v4  }
0x97: {  	v4 =	vperm.xlane v3, v0;
	_ =	sdelay $0x1  }
0x98: {  	v4 =	vadd.s32 v1, v4;
	_ =	sdelay $0x4  }
0x99: {  	[hbm4b:s4+s2] =	stream.indirect_vreg.scatter [tilespmem:s12], [sflag:$0x3], $0x80, v4, vm0, $0xb8;
	[tilespmem:$0x10200] =	vst v63  }
0x9a: {  	v3 =	vperm.xlane v3, v2  }
0x9b: {  	[hbm4b:s6+s2] =	stream.indirect_vreg.scatter [tilespmem:s28], [sflag:$0x3], $0x80, v4, vm0, $0xb8;
	[tilespmem:$0x10200] =	vst v63  }
0x9c: {  	v3 =	vadd.s32 v1, v3  }
0x9d: {  	[hbm4b:s7+s2] =	stream.indirect_vreg.scatter [tilespmem:s29], [sflag:$0x3], $0x80, v4, vm0, $0xb8;
	[tilespmem:$0x10200] =	vst v63  }
0x9e: {  	s28 =	simm.s32 $0x1A00  }
0x9f: {  	[hbm4b:s8+s2] =	stream.indirect_vreg.scatter [tilespmem:s28], [sflag:$0x3], $0x80, v4, vm0, $0xb8;
	[tilespmem:$0x10200] =	vst v63  }
0xa0: {  	s26 =	simm.s32 $0x2200  }
0xa1: {  	[hbm4b:s4+s2] =	stream.indirect_vreg.scatter [tilespmem:s26], [sflag:$0x3], $0x80, v3, vm0, $0xb8;
	[tilespmem:$0x10200] =	vst v63  }
0xa2: {  	s28 =	simm.s32 $0x2A00  }
0xa3: {  	[hbm4b:s6+s2] =	stream.indirect_vreg.scatter [tilespmem:s28], [sflag:$0x3], $0x80, v3, vm0, $0xb8;
	[tilespmem:$0x10200] =	vst v63  }
0xa4: {  	s26 =	simm.s32 $0x3200  }
0xa5: {  	[hbm4b:s7+s2] =	stream.indirect_vreg.scatter [tilespmem:s26], [sflag:$0x3], $0x80, v3, vm0, $0xb8;
	[tilespmem:$0x10200] =	vst v63  }
0xa6: {  	s28 =	simm.s32 $0x3A00  }
0xa7: {  	[hbm4b:s8+s2] =	stream.indirect_vreg.scatter [tilespmem:s28], [sflag:$0x3], $0x80, v3, vm0, $0xb8;
	[tilespmem:$0x10200] =	vst v63  }
0xa8: {  	v3 =	vld [tilespmem:$0x110];
	_ =	sdelay $0x4  }
0xa9: {  	v61 =	vshll.u32 v3, $0x3  }
0xaa: {  	v3 =	vand.u32 $0x7, v3;
	v4 =	vand.u32 $0xFFFFFFC0, v61  }
0xab: {  	v3 =	vor.u32 v3, v4  }
0xac: {  	v4 =	vperm.xlane v3, v0;
	_ =	sdelay $0x1  }
0xad: {  	v4 =	vadd.s32 v1, v4;
	_ =	sdelay $0x3  }
0xae: {  	s26 =	simm.s32 $0x4200  }
0xaf: {  	[hbm4b:s4+s2] =	stream.indirect_vreg.scatter [tilespmem:s26], [sflag:$0x3], $0x80, v4, vm0, $0xb8;
	[tilespmem:$0x10200] =	vst v63  }
0xb0: {  	s28 =	simm.s32 $0x4A00;
	v3 =	vperm.xlane v3, v2  }
0xb1: {  	[hbm4b:s6+s2] =	stream.indirect_vreg.scatter [tilespmem:s28], [sflag:$0x3], $0x80, v4, vm0, $0xb8;
	[tilespmem:$0x10200] =	vst v63  }
0xb2: {  	v3 =	vadd.s32 v1, v3;
	s26 =	simm.s32 $0x5200  }
0xb3: {  	[hbm4b:s7+s2] =	stream.indirect_vreg.scatter [tilespmem:s26], [sflag:$0x3], $0x80, v4, vm0, $0xb8;
	[tilespmem:$0x10200] =	vst v63  }
0xb4: {  	s28 =	simm.s32 $0x5A00  }
0xb5: {  	[hbm4b:s8+s2] =	stream.indirect_vreg.scatter [tilespmem:s28], [sflag:$0x3], $0x80, v4, vm0, $0xb8;
	[tilespmem:$0x10200] =	vst v63  }
0xb6: {  	s26 =	simm.s32 $0x6200  }
0xb7: {  	[hbm4b:s4+s2] =	stream.indirect_vreg.scatter [tilespmem:s26], [sflag:$0x3], $0x80, v3, vm0, $0xb8;
	[tilespmem:$0x10200] =	vst v63  }
0xb8: {  	s28 =	simm.s32 $0x6A00  }
0xb9: {  	[hbm4b:s6+s2] =	stream.indirect_vreg.scatter [tilespmem:s28], [sflag:$0x3], $0x80, v3, vm0, $0xb8;
	[tilespmem:$0x10200] =	vst v63  }
0xba: {  	s26 =	simm.s32 $0x7200  }
0xbb: {  	[hbm4b:s7+s2] =	stream.indirect_vreg.scatter [tilespmem:s26], [sflag:$0x3], $0x80, v3, vm0, $0xb8;
	[tilespmem:$0x10200] =	vst v63  }
0xbc: {  	s28 =	simm.s32 $0x7A00  }
0xbd: {  	[hbm4b:s8+s2] =	stream.indirect_vreg.scatter [tilespmem:s28], [sflag:$0x3], $0x80, v3, vm0, $0xb8;
	[tilespmem:$0x10200] =	vst v63  }
0xbe: {  	_ =	swait.ge [sflag:s0], $0x8000  }
0xbf: {  	[sflag:s0] =	ssyncset.done $0x0  }
0xc0: {  	[sflag:s0] =	ssyncadd.s32 $0xFFFF8000  }
0xc1: {  	v3 =	vld [tilespmem:$0x180];
	_ =	sdelay $0x4  }
0xc2: {  	v62 =	vshll.u32 v3, $0x3  }
0xc3: {  	v3 =	vand.u32 $0x7, v3;
	v4 =	vand.u32 $0xFFFFFFC0, v62  }
0xc4: {  	v3 =	vor.u32 v3, v4  }
0xc5: {  	v4 =	vperm.xlane v3, v0;
	_ =	sdelay $0x1  }
0xc6: {  	v4 =	vadd.s32 v1, v4;
	_ =	sdelay $0x4  }
0xc7: {  	[hbm4b:s4+s2] =	stream.indirect_vreg.scatter [tilespmem:s13], [sflag:$0x4], $0x80, v4, vm0, $0xb8;
	[tilespmem:$0x10200] =	vst v63  }
0xc8: {  	v3 =	vperm.xlane v3, v2  }
0xc9: {  	[hbm4b:s6+s2] =	stream.indirect_vreg.scatter [tilespmem:s23], [sflag:$0x4], $0x80, v4, vm0, $0xb8;
	[tilespmem:$0x10200] =	vst v63  }
0xca: {  	v3 =	vadd.s32 v1, v3  }
0xcb: {  	[hbm4b:s7+s2] =	stream.indirect_vreg.scatter [tilespmem:s24], [sflag:$0x4], $0x80, v4, vm0, $0xb8;
	[tilespmem:$0x10200] =	vst v63  }
0xcc: {  	_ = 	snop  }
0xcd: {  	[hbm4b:s8+s2] =	stream.indirect_vreg.scatter [tilespmem:s11], [sflag:$0x4], $0x80, v4, vm0, $0xb8;
	[tilespmem:$0x10200] =	vst v63  }
0xce: {  	_ = 	snop  }
0xcf: {  	[hbm4b:s4+s2] =	stream.indirect_vreg.scatter [tilespmem:s1], [sflag:$0x4], $0x80, v3, vm0, $0xb8;
	[tilespmem:$0x10200] =	vst v63  }
0xd0: {  	_ = 	snop  }
0xd1: {  	[hbm4b:s6+s2] =	stream.indirect_vreg.scatter [tilespmem:s3], [sflag:$0x4], $0x80, v3, vm0, $0xb8;
	[tilespmem:$0x10200] =	vst v63  }
0xd2: {  	_ = 	snop  }
0xd3: {  	[hbm4b:s7+s2] =	stream.indirect_vreg.scatter [tilespmem:s5], [sflag:$0x4], $0x80, v3, vm0, $0xb8;
	[tilespmem:$0x10200] =	vst v63  }
0xd4: {  	_ = 	snop  }
0xd5: {  	[hbm4b:s8+s2] =	stream.indirect_vreg.scatter [tilespmem:s14], [sflag:$0x4], $0x80, v3, vm0, $0xb8;
	[tilespmem:$0x10200] =	vst v63  }
0xd6: {  	v3 =	vld [tilespmem:$0x190];
	_ =	sdelay $0x4  }
0xd7: {  	v63 =	vshll.u32 v3, $0x3  }
0xd8: {  	v3 =	vand.u32 $0x7, v3;
	v4 =	vand.u32 $0xFFFFFFC0, v63  }
0xd9: {  	v3 =	vor.u32 v3, v4  }
0xda: {  	v4 =	vperm.xlane v3, v0;
	_ =	sdelay $0x1  }
0xdb: {  	v4 =	vadd.s32 v1, v4;
	_ =	sdelay $0x4  }
0xdc: {  	[hbm4b:s4+s2] =	stream.indirect_vreg.scatter [tilespmem:s15], [sflag:$0x4], $0x80, v4, vm0, $0xb8;
	[tilespmem:$0x10200] =	vst v63  }
0xdd: {  	v3 =	vperm.xlane v3, v2  }
0xde: {  	[hbm4b:s6+s2] =	stream.indirect_vreg.scatter [tilespmem:s16], [sflag:$0x4], $0x80, v4, vm0, $0xb8;
	[tilespmem:$0x10200] =	vst v63  }
0xdf: {  	v3 =	vadd.s32 v1, v3  }
0xe0: {  	[hbm4b:s7+s2] =	stream.indirect_vreg.scatter [tilespmem:s17], [sflag:$0x4], $0x80, v4, vm0, $0xb8;
	[tilespmem:$0x10200] =	vst v63  }
0xe1: {  	_ = 	snop  }
0xe2: {  	[hbm4b:s8+s2] =	stream.indirect_vreg.scatter [tilespmem:s18], [sflag:$0x4], $0x80, v4, vm0, $0xb8;
	[tilespmem:$0x10200] =	vst v63  }
0xe3: {  	_ = 	snop  }
0xe4: {  	[hbm4b:s4+s2] =	stream.indirect_vreg.scatter [tilespmem:s19], [sflag:$0x4], $0x80, v3, vm0, $0xb8;
	[tilespmem:$0x10200] =	vst v63  }
0xe5: {  	_ = 	snop  }
0xe6: {  	[hbm4b:s6+s2] =	stream.indirect_vreg.scatter [tilespmem:s20], [sflag:$0x4], $0x80, v3, vm0, $0xb8;
	[tilespmem:$0x10200] =	vst v63  }
0xe7: {  	_ = 	snop  }
0xe8: {  	[hbm4b:s7+s2] =	stream.indirect_vreg.scatter [tilespmem:s21], [sflag:$0x4], $0x80, v3, vm0, $0xb8;
	[tilespmem:$0x10200] =	vst v63  }
0xe9: {  	_ = 	snop  }
0xea: {  	[hbm4b:s8+s2] =	stream.indirect_vreg.scatter [tilespmem:s22], [sflag:$0x4], $0x80, v3, vm0, $0xb8;
	[tilespmem:$0x10200] =	vst v63  }
0xeb: {  	p0 =	sne.s32 s9, $0x1;
	_ =	swait.ge [sflag:s31], $0x8000  }
.Ltmp0:
0xec: {  	[sflag:s31] =	ssyncset.done $0x0;
	(pc) =	sbr.rel @p0 .LBB2_1-.Ltmp0, $4  }
0xed: {  	[sflag:s31] =	ssyncadd.s32 $0xFFFF8000  }
0xee: {  	_ =	swait.ge [sflag:s25], $0x8000  }
0xef: {  	[sflag:s25] =	ssyncset.done $0x0  }
0xf0: {  	s9 =	sadd.s32 $0xFFFFFFFF, s9;
	[sflag:s25] =	ssyncadd.s32 $0xFFFF8000  }
0xf1: {  	_ =	sfence.sel $0x180000  }
0xf2: {  	[bflag:$0x0] =	sbarrier.arrive $0xFFFF  }
0xf3: {  	_ =	strace $0x90000047  }
0xf4: {  	s0 =	stileid.u32;
	[bflag:$0x2] =	sbarrier.arrive $0xFFFF  }
0xf5: {  	p0 =	sne.s32 s0, $0x0;
	s0 =	rddreg [dreg:$0x3]  }
0xf6: {  	s0 =	sadd.s32 @!p0 $0x100000, s0  }
0xf7: {  	[sflag:s0] =	ssyncadd.tile.s32 @!p0 $0x1;
	_ =	shalt  }
.Lfunc_end2:
_tile_overlayer_lowered:
.L_overlay_start_2:
0xf8: {  	(tag) =	ssettag $0x2  }
0xf9: {  	s0 =	rddreg [dreg:$0x0];
	s2 =	stileid.u32  }
0xfa: {  	s1 =	rddreg [dreg:$0x1];
	p0 =	sne.s32 s2, $0x0  }
0xfb: {  	s3 =	rddreg [dreg:$0x2];
	[bflag:$0x3] =	sbarrier.arrive $0xFFFF;
	s2 =	simm.s32 @!p0 $0x1C05  }
0xfc: {  	[timem:s3], [sflag:s2] =	dma.local @!p0 [hbm:s0], s1  }
0xfd: {  	s0 =	simm.s32 @!p0 $0x5  }
0xfe: {  	_ =	swait.ge @!p0 [sflag:s0], s1  }
0xff: {  	s1 =	ssub.s32 @!p0 $0x0, s1;
	[sflag:s0] =	ssyncset.done @!p0 $0x0  }
0x100: {  	[sflag:s0] =	ssyncadd.s32 @!p0 s1  }
0x101: {  	[bflag:$0x3] =	sbarrier.arrive $0xFFFF  }
0x102: {  	_ =	shalt  }

</sc_bundles>
